<compile_context>
chip_gen: v7x
topology: tpu7x:2x2x1
jax: 0.10.2.dev20260603
libtpu: 0.0.44.dev20260713+nightly
codegen_flags: <defaults>
</compile_context>

<pallas_src>
import functools
import math

import jax
import jax.numpy as jnp
from jax import lax
from jax.experimental import pallas as pl
from jax.experimental.pallas import tpu as pltpu
from jax.experimental.pallas import tpu_sc as plsc

_CHUNK = 128
_GPB = 1
_NBUF = 5
_LANES = 16


@functools.cache
def _make_gather(nc, ns, n_chunks, chunk, d, scale):
    nw = nc * ns
    b_per_w = n_chunks * chunk
    brows = _GPB * chunk
    n_bufchunks = n_chunks // _GPB
    assert n_chunks % (_GPB * _NBUF) == 0
    n_groups = n_bufchunks // _NBUF
    n_vec = d // _LANES
    mesh = plsc.VectorSubcoreMesh(core_axis_name="c", subcore_axis_name="s")

    @functools.partial(
        pl.kernel,
        mesh=mesh,
        out_type=jax.ShapeDtypeStruct((nw * b_per_w, d), jnp.float32),
        scratch_types=[
            pltpu.VMEM((n_chunks, chunk), jnp.int32),
        ]
        + [pltpu.VMEM((brows, d), jnp.float32) for _ in range(_NBUF)]
        + [pltpu.SemaphoreType.DMA for _ in range(2 * _NBUF)],
    )
    def gather(table_hbm, idx_hbm, out_hbm, idx_v, *rest):
        bufs = rest[:_NBUF]
        gsems = rest[_NBUF : 2 * _NBUF]
        wsems = rest[2 * _NBUF :]
        wid = lax.axis_index("s") * nc + lax.axis_index("c")
        base = wid * b_per_w

        def fire_gathers(k, b):
            for p in range(_GPB):
                pltpu.async_copy(
                    table_hbm.at[idx_v.at[_GPB * k + p]],
                    bufs[b].at[pl.ds(p * chunk, chunk)],
                    gsems[b],
                )

        def wait_gathers(k, b):
            for p in range(_GPB):
                pltpu.make_async_copy(
                    table_hbm.at[idx_v.at[_GPB * k + p]],
                    bufs[b].at[pl.ds(p * chunk, chunk)],
                    gsems[b],
                ).wait()

        def out_slice(k):
            return out_hbm.at[pl.ds(base + k * brows, brows)]

        pltpu.sync_copy(idx_hbm.at[wid], idx_v)
        for b in range(_NBUF):
            fire_gathers(b, b)

        def scale_buf(buf):
            def row(r, carry):
                for rr in range(2):
                    for c in range(n_vec):
                        sl = pl.ds(c * _LANES, _LANES)
                        buf[2 * r + rr, sl] = buf[2 * r + rr, sl] * scale
                return carry

            lax.fori_loop(0, brows // 2, row, 0)

        def group(g, carry):
            k0 = g * _NBUF
            for b in range(_NBUF):
                wait_gathers(k0 + b, b)
                scale_buf(bufs[b])
                pltpu.async_copy(bufs[b], out_slice(k0 + b), wsems[b])

            @pl.when(g < n_groups - 1)
            def _():
                for b in range(_NBUF):
                    pltpu.make_async_copy(bufs[b], out_slice(k0 + b), wsems[b]).wait()
                    fire_gathers(k0 + _NBUF + b, b)

            return carry

        lax.fori_loop(0, n_groups, group, 0)

        last = (n_groups - 1) * _NBUF
        for b in range(_NBUF):
            pltpu.make_async_copy(bufs[b], out_slice(last + b), wsems[b]).wait()

    return gather


def kernel(tokens, table):
    v, d = table.shape
    b, s = tokens.shape
    n = b * s
    info = plsc.get_sparse_core_info()
    nc, ns = info.num_cores, info.num_subcores
    nw = nc * ns
    assert n % (nw * _CHUNK) == 0 and d % _LANES == 0
    n_chunks = n // (nw * _CHUNK)

    idx = tokens.reshape(nw, n_chunks, _CHUNK).astype(jnp.int32)
    out = _make_gather(nc, ns, n_chunks, _CHUNK, d, math.sqrt(d))(table, idx)
    return out.reshape(b, s, d)

# --- scband reference (transcript-rebuilt; emitter-appended) ---
"""Pipeline reference for scband-token-embedding-103079215527 (READ-ONLY COPY).

The authoritative reference and input builder live on the scoring server;
editing this copy changes nothing except your own understanding.
"""

import jax, jax.numpy as jnp
import numpy as np
import math

VOCAB = 100000
EMB = 128

def setup_inputs(seed: int = 0) -> dict:
    key = jax.random.key(seed)
    k1, k2 = jax.random.split(key)
    tokens = jax.random.randint(k1, (4096, 200), 0, VOCAB, dtype=jnp.int64)
    table = jax.random.normal(k2, (VOCAB, EMB), dtype=jnp.float32)
    return {"tokens": tokens, "table": table}

def reference(tokens, table):
    # nn.Embedding lookup followed by scaling by sqrt(emb_size)
    emb = jnp.take(table, tokens, axis=0)
    return emb * math.sqrt(EMB)

if __name__ == "__main__":
    import jax
    _d = setup_inputs()
    print(jax.jit(kernel)(*tuple(_d.values())))

</pallas_src>

<mosaic_0001>
#map = affine_map<(d0, d1) -> (0, 0)>
#map1 = affine_map<(d0, d1) -> (0, 0, 0)>
module attributes {stable_mosaic.version = 14 : i64} {
  func.func @gather(%arg0: i32, %arg1: i32, %arg2: memref<100000x128xf32, #tpu.memory_space<hbm>>, %arg3: memref<32x200x128xi32, #tpu.memory_space<hbm>>, %arg4: memref<819200x128xf32, #tpu.memory_space<hbm>>, %arg5: memref<200x128xi32, #tpu.memory_space<vmem>>, %arg6: memref<128x128xf32, #tpu.memory_space<vmem>>, %arg7: memref<128x128xf32, #tpu.memory_space<vmem>>, %arg8: memref<128x128xf32, #tpu.memory_space<vmem>>, %arg9: memref<128x128xf32, #tpu.memory_space<vmem>>, %arg10: memref<128x128xf32, #tpu.memory_space<vmem>>, %arg11: memref<!tpu.dma_semaphore, #tpu.memory_space<semaphore_mem>>, %arg12: memref<!tpu.dma_semaphore, #tpu.memory_space<semaphore_mem>>, %arg13: memref<!tpu.dma_semaphore, #tpu.memory_space<semaphore_mem>>, %arg14: memref<!tpu.dma_semaphore, #tpu.memory_space<semaphore_mem>>, %arg15: memref<!tpu.dma_semaphore, #tpu.memory_space<semaphore_mem>>, %arg16: memref<!tpu.dma_semaphore, #tpu.memory_space<semaphore_mem>>, %arg17: memref<!tpu.dma_semaphore, #tpu.memory_space<semaphore_mem>>, %arg18: memref<!tpu.dma_semaphore, #tpu.memory_space<semaphore_mem>>, %arg19: memref<!tpu.dma_semaphore, #tpu.memory_space<semaphore_mem>>, %arg20: memref<!tpu.dma_semaphore, #tpu.memory_space<semaphore_mem>>) attributes {dimension_semantics = [#tpu.dimension_semantics<core_parallel>, #tpu.dimension_semantics<subcore_parallel>], iteration_bounds = array<i64: 2, 16>, scalar_prefetch = 0 : i64, scratch_operands = 16 : i64, tpu.core_type = #tpu.core_type<sc_vector_subcore>, window_params = [{transform_indices = #map}, {transform_indices = #map1}, {transform_indices = #map}]} {
    %mul3A = arith.constant 2 : i32
    %mul3A_0 = arith.muli %arg1, %mul3A : i32
    %add3A = arith.addi %mul3A_0, %arg0 : i32
    %mul3A_1 = arith.constant 25600 : i32
    %mul3A_2 = arith.muli %add3A, %mul3A_1 : i32
    "tpu.region"() ({
      %run_scoped3A = tpu.sem_alloc : memref<!tpu.dma_semaphore, #tpu.memory_space<semaphore_mem>>
      %dma_start3A_86 = arith.constant 0 : i32
      %dma_start3A_87 = arith.constant 0 : i32
      %dma_start3A_88 = tpu.memref_slice %arg3[%add3A, %dma_start3A_86, %dma_start3A_87] : memref<32x200x128xi32, #tpu.memory_space<hbm>> -> memref<1x200x128xi32, #tpu.memory_space<hbm>>
      %dma_start3A_89 = tpu.memref_squeeze %dma_start3A_88 : memref<1x200x128xi32, #tpu.memory_space<hbm>> -> memref<200x128xi32, #tpu.memory_space<hbm>>
      %dma_start3A_90 = arith.constant 0 : i32
      %dma_start3A_91 = arith.constant 0 : i32
      %dma_start3A_92 = tpu.memref_slice %arg3[%add3A, %dma_start3A_90, %dma_start3A_91] : memref<32x200x128xi32, #tpu.memory_space<hbm>> -> memref<1x200x128xi32, #tpu.memory_space<hbm>>
      %dma_start3A_93 = tpu.memref_squeeze %dma_start3A_92 : memref<1x200x128xi32, #tpu.memory_space<hbm>> -> memref<200x128xi32, #tpu.memory_space<hbm>>
      tpu.enqueue_dma source(%dma_start3A_93 : memref<200x128xi32, #tpu.memory_space<hbm>>) target(%arg5 : memref<200x128xi32, #tpu.memory_space<vmem>>) target_semaphore(%run_scoped3A : memref<!tpu.dma_semaphore, #tpu.memory_space<semaphore_mem>>)
      %dma_wait3A_94 = arith.constant 0 : i32
      %dma_wait3A_95 = arith.constant 0 : i32
      %dma_wait3A_96 = tpu.memref_slice %arg3[%add3A, %dma_wait3A_94, %dma_wait3A_95] : memref<32x200x128xi32, #tpu.memory_space<hbm>> -> memref<1x200x128xi32, #tpu.memory_space<hbm>>
      %dma_wait3A_97 = tpu.memref_squeeze %dma_wait3A_96 : memref<1x200x128xi32, #tpu.memory_space<hbm>> -> memref<200x128xi32, #tpu.memory_space<hbm>>
      %dma_wait3A_98 = arith.constant 0 : i32
      %dma_wait3A_99 = arith.constant 0 : i32
      %dma_wait3A_100 = tpu.memref_slice %arg3[%add3A, %dma_wait3A_98, %dma_wait3A_99] : memref<32x200x128xi32, #tpu.memory_space<hbm>> -> memref<1x200x128xi32, #tpu.memory_space<hbm>>
      %dma_wait3A_101 = tpu.memref_squeeze %dma_wait3A_100 : memref<1x200x128xi32, #tpu.memory_space<hbm>> -> memref<200x128xi32, #tpu.memory_space<hbm>>
      tpu.wait_dma2 semaphore(%run_scoped3A : memref<!tpu.dma_semaphore, #tpu.memory_space<semaphore_mem>>) src(%dma_wait3A_101 : memref<200x128xi32, #tpu.memory_space<hbm>>) dst(%arg5 : memref<200x128xi32, #tpu.memory_space<vmem>>)
      tpu.yield
    }) : () -> ()
    %dma_start3A = arith.constant 0 : i32
    %dma_start3A_3 = arith.constant 0 : i32
    %dma_start3A_4 = arith.constant 0 : i32
    %dma_start3A_5 = tpu.memref_slice %arg6[%dma_start3A_3, %dma_start3A_4] : memref<128x128xf32, #tpu.memory_space<vmem>> -> memref<128x128xf32, #tpu.memory_space<vmem>>
    %dma_start3A_6 = arith.constant 0 : i32
    %dma_start3A_7 = tpu.memref_slice %arg5[%dma_start3A, %dma_start3A_6] : memref<200x128xi32, #tpu.memory_space<vmem>> -> memref<1x128xi32, #tpu.memory_space<vmem>>
    %dma_start3A_8 = tpu.memref_squeeze %dma_start3A_7 : memref<1x128xi32, #tpu.memory_space<vmem>> -> memref<128xi32, #tpu.memory_space<vmem>>
    %dma_start3A_9 = arith.constant 0 : i32
    %dma_start3A_10 = arith.constant 0 : i32
    %dma_start3A_11 = tpu.memref_slice %arg2[%dma_start3A_9, %dma_start3A_10] : memref<100000x128xf32, #tpu.memory_space<hbm>> -> memref<100000x128xf32, #tpu.memory_space<hbm>>
    tpu.enqueue_indirect_dma source(%dma_start3A_11 : memref<100000x128xf32, #tpu.memory_space<hbm>>) target(%dma_start3A_5 : memref<128x128xf32, #tpu.memory_space<vmem>>) offsets(%dma_start3A_8 : memref<128xi32, #tpu.memory_space<vmem>>) semaphore(%arg11 : memref<!tpu.dma_semaphore, #tpu.memory_space<semaphore_mem>>)
    %dma_start3A_12 = arith.constant 1 : i32
    %dma_start3A_13 = arith.constant 0 : i32
    %dma_start3A_14 = arith.constant 0 : i32
    %dma_start3A_15 = tpu.memref_slice %arg7[%dma_start3A_13, %dma_start3A_14] : memref<128x128xf32, #tpu.memory_space<vmem>> -> memref<128x128xf32, #tpu.memory_space<vmem>>
    %dma_start3A_16 = arith.constant 0 : i32
    %dma_start3A_17 = tpu.memref_slice %arg5[%dma_start3A_12, %dma_start3A_16] : memref<200x128xi32, #tpu.memory_space<vmem>> -> memref<1x128xi32, #tpu.memory_space<vmem>>
    %dma_start3A_18 = tpu.memref_squeeze %dma_start3A_17 : memref<1x128xi32, #tpu.memory_space<vmem>> -> memref<128xi32, #tpu.memory_space<vmem>>
    %dma_start3A_19 = arith.constant 0 : i32
    %dma_start3A_20 = arith.constant 0 : i32
    %dma_start3A_21 = tpu.memref_slice %arg2[%dma_start3A_19, %dma_start3A_20] : memref<100000x128xf32, #tpu.memory_space<hbm>> -> memref<100000x128xf32, #tpu.memory_space<hbm>>
    tpu.enqueue_indirect_dma source(%dma_start3A_21 : memref<100000x128xf32, #tpu.memory_space<hbm>>) target(%dma_start3A_15 : memref<128x128xf32, #tpu.memory_space<vmem>>) offsets(%dma_start3A_18 : memref<128xi32, #tpu.memory_space<vmem>>) semaphore(%arg12 : memref<!tpu.dma_semaphore, #tpu.memory_space<semaphore_mem>>)
    %dma_start3A_22 = arith.constant 2 : i32
    %dma_start3A_23 = arith.constant 0 : i32
    %dma_start3A_24 = arith.constant 0 : i32
    %dma_start3A_25 = tpu.memref_slice %arg8[%dma_start3A_23, %dma_start3A_24] : memref<128x128xf32, #tpu.memory_space<vmem>> -> memref<128x128xf32, #tpu.memory_space<vmem>>
    %dma_start3A_26 = arith.constant 0 : i32
    %dma_start3A_27 = tpu.memref_slice %arg5[%dma_start3A_22, %dma_start3A_26] : memref<200x128xi32, #tpu.memory_space<vmem>> -> memref<1x128xi32, #tpu.memory_space<vmem>>
    %dma_start3A_28 = tpu.memref_squeeze %dma_start3A_27 : memref<1x128xi32, #tpu.memory_space<vmem>> -> memref<128xi32, #tpu.memory_space<vmem>>
    %dma_start3A_29 = arith.constant 0 : i32
    %dma_start3A_30 = arith.constant 0 : i32
    %dma_start3A_31 = tpu.memref_slice %arg2[%dma_start3A_29, %dma_start3A_30] : memref<100000x128xf32, #tpu.memory_space<hbm>> -> memref<100000x128xf32, #tpu.memory_space<hbm>>
    tpu.enqueue_indirect_dma source(%dma_start3A_31 : memref<100000x128xf32, #tpu.memory_space<hbm>>) target(%dma_start3A_25 : memref<128x128xf32, #tpu.memory_space<vmem>>) offsets(%dma_start3A_28 : memref<128xi32, #tpu.memory_space<vmem>>) semaphore(%arg13 : memref<!tpu.dma_semaphore, #tpu.memory_space<semaphore_mem>>)
    %dma_start3A_32 = arith.constant 3 : i32
    %dma_start3A_33 = arith.constant 0 : i32
    %dma_start3A_34 = arith.constant 0 : i32
    %dma_start3A_35 = tpu.memref_slice %arg9[%dma_start3A_33, %dma_start3A_34] : memref<128x128xf32, #tpu.memory_space<vmem>> -> memref<128x128xf32, #tpu.memory_space<vmem>>
    %dma_start3A_36 = arith.constant 0 : i32
    %dma_start3A_37 = tpu.memref_slice %arg5[%dma_start3A_32, %dma_start3A_36] : memref<200x128xi32, #tpu.memory_space<vmem>> -> memref<1x128xi32, #tpu.memory_space<vmem>>
    %dma_start3A_38 = tpu.memref_squeeze %dma_start3A_37 : memref<1x128xi32, #tpu.memory_space<vmem>> -> memref<128xi32, #tpu.memory_space<vmem>>
    %dma_start3A_39 = arith.constant 0 : i32
    %dma_start3A_40 = arith.constant 0 : i32
    %dma_start3A_41 = tpu.memref_slice %arg2[%dma_start3A_39, %dma_start3A_40] : memref<100000x128xf32, #tpu.memory_space<hbm>> -> memref<100000x128xf32, #tpu.memory_space<hbm>>
    tpu.enqueue_indirect_dma source(%dma_start3A_41 : memref<100000x128xf32, #tpu.memory_space<hbm>>) target(%dma_start3A_35 : memref<128x128xf32, #tpu.memory_space<vmem>>) offsets(%dma_start3A_38 : memref<128xi32, #tpu.memory_space<vmem>>) semaphore(%arg14 : memref<!tpu.dma_semaphore, #tpu.memory_space<semaphore_mem>>)
    %dma_start3A_42 = arith.constant 4 : i32
    %dma_start3A_43 = arith.constant 0 : i32
    %dma_start3A_44 = arith.constant 0 : i32
    %dma_start3A_45 = tpu.memref_slice %arg10[%dma_start3A_43, %dma_start3A_44] : memref<128x128xf32, #tpu.memory_space<vmem>> -> memref<128x128xf32, #tpu.memory_space<vmem>>
    %dma_start3A_46 = arith.constant 0 : i32
    %dma_start3A_47 = tpu.memref_slice %arg5[%dma_start3A_42, %dma_start3A_46] : memref<200x128xi32, #tpu.memory_space<vmem>> -> memref<1x128xi32, #tpu.memory_space<vmem>>
    %dma_start3A_48 = tpu.memref_squeeze %dma_start3A_47 : memref<1x128xi32, #tpu.memory_space<vmem>> -> memref<128xi32, #tpu.memory_space<vmem>>
    %dma_start3A_49 = arith.constant 0 : i32
    %dma_start3A_50 = arith.constant 0 : i32
    %dma_start3A_51 = tpu.memref_slice %arg2[%dma_start3A_49, %dma_start3A_50] : memref<100000x128xf32, #tpu.memory_space<hbm>> -> memref<100000x128xf32, #tpu.memory_space<hbm>>
    tpu.enqueue_indirect_dma source(%dma_start3A_51 : memref<100000x128xf32, #tpu.memory_space<hbm>>) target(%dma_start3A_45 : memref<128x128xf32, #tpu.memory_space<vmem>>) offsets(%dma_start3A_48 : memref<128xi32, #tpu.memory_space<vmem>>) semaphore(%arg15 : memref<!tpu.dma_semaphore, #tpu.memory_space<semaphore_mem>>)
    %scan3A = arith.constant 0 : i32
    %scan3A_52 = arith.constant 0 : i32
    %scan3A_53 = arith.constant 40 : i32
    %scan3A_54 = arith.addi %scan3A_52, %scan3A_53 : i32
    %scan3A_55 = arith.constant 1 : i32
    scf.for %scan3A_86 = %scan3A_52 to %scan3A_54 step %scan3A_55  : i32 {
      %mul3A_87 = arith.constant 5 : i32
      %mul3A_88 = arith.muli %scan3A_86, %mul3A_87 : i32
      %add3A_89 = arith.constant 0 : i32
      %add3A_90 = arith.addi %mul3A_88, %add3A_89 : i32
      %mul3A_91 = arith.constant 1 : i32
      %mul3A_92 = arith.muli %mul3A_91, %add3A_90 : i32
      %add3A_93 = arith.constant 0 : i32
      %add3A_94 = arith.addi %mul3A_92, %add3A_93 : i32
      %dma_wait3A_95 = arith.constant 0 : i32
      %dma_wait3A_96 = arith.constant 0 : i32
      %dma_wait3A_97 = tpu.memref_slice %arg6[%dma_wait3A_95, %dma_wait3A_96] : memref<128x128xf32, #tpu.memory_space<vmem>> -> memref<128x128xf32, #tpu.memory_space<vmem>>
      %dma_wait3A_98 = arith.constant 0 : i32
      %dma_wait3A_99 = tpu.memref_slice %arg5[%add3A_94, %dma_wait3A_98] : memref<200x128xi32, #tpu.memory_space<vmem>> -> memref<1x128xi32, #tpu.memory_space<vmem>>
      %dma_wait3A_100 = tpu.memref_squeeze %dma_wait3A_99 : memref<1x128xi32, #tpu.memory_space<vmem>> -> memref<128xi32, #tpu.memory_space<vmem>>
      %dma_wait3A_101 = arith.constant 0 : i32
      %dma_wait3A_102 = arith.constant 0 : i32
      %dma_wait3A_103 = tpu.memref_slice %arg2[%dma_wait3A_101, %dma_wait3A_102] : memref<100000x128xf32, #tpu.memory_space<hbm>> -> memref<100000x128xf32, #tpu.memory_space<hbm>>
      tpu.wait_indirect_dma semaphore(%arg11 : memref<!tpu.dma_semaphore, #tpu.memory_space<semaphore_mem>>) src(%dma_wait3A_103 : memref<100000x128xf32, #tpu.memory_space<hbm>>) dst(%dma_wait3A_97 : memref<128x128xf32, #tpu.memory_space<vmem>>)
      %scan3A_104 = arith.constant 0 : i32
      %scan3A_105 = arith.constant 0 : i32
      %scan3A_106 = arith.constant 64 : i32
      %scan3A_107 = arith.addi %scan3A_105, %scan3A_106 : i32
      %scan3A_108 = arith.constant 1 : i32
      scf.for %scan3A_241 = %scan3A_105 to %scan3A_107 step %scan3A_108  : i32 {
        %mul3A_242 = arith.constant 2 : i32
        %mul3A_243 = arith.muli %mul3A_242, %scan3A_241 : i32
        %add3A_244 = arith.constant 0 : i32
        %add3A_245 = arith.addi %mul3A_243, %add3A_244 : i32
        %get3A = arith.index_cast %add3A_245 : i32 to index
        %get3A_246 = arith.constant 0 : index
        %get3A_247 = tpu.vector_load %arg6[%get3A, %get3A_246] {strides = array<i32>} : memref<128x128xf32, #tpu.memory_space<vmem>>, vector<1x16xf32>,
        %get3A_248 = vector.shape_cast %get3A_247 : vector<1x16xf32> to vector<16xf32>
        %mul3A_249 = arith.constant 11.3137083 : f32
        %mul3A_250 = vector.broadcast %mul3A_249 : f32 to vector<16xf32>
        %mul3A_251 = arith.mulf %get3A_248, %mul3A_250 : vector<16xf32>
        %mul3A_252 = arith.constant 2 : i32
        %mul3A_253 = arith.muli %mul3A_252, %scan3A_241 : i32
        %add3A_254 = arith.constant 0 : i32
        %add3A_255 = arith.addi %mul3A_253, %add3A_254 : i32
        %swap3A = arith.index_cast %add3A_255 : i32 to index
        %swap3A_256 = arith.constant 0 : index
        %swap3A_257 = tpu.vector_load %arg6[%swap3A, %swap3A_256] {strides = array<i32>} : memref<128x128xf32, #tpu.memory_space<vmem>>, vector<1x16xf32>,
        %swap3A_258 = vector.shape_cast %swap3A_257 : vector<1x16xf32> to vector<16xf32>
        %swap3A_259 = vector.shape_cast %mul3A_251 : vector<16xf32> to vector<1x16xf32>
        tpu.vector_store %arg6[%swap3A, %swap3A_256], %swap3A_259 {strides = array<i32>} : memref<128x128xf32, #tpu.memory_space<vmem>>, vector<1x16xf32>,
        %mul3A_260 = arith.constant 2 : i32
        %mul3A_261 = arith.muli %mul3A_260, %scan3A_241 : i32
        %add3A_262 = arith.constant 0 : i32
        %add3A_263 = arith.addi %mul3A_261, %add3A_262 : i32
        %get3A_264 = arith.index_cast %add3A_263 : i32 to index
        %get3A_265 = arith.constant 16 : index
        %get3A_266 = tpu.vector_load %arg6[%get3A_264, %get3A_265] {strides = array<i32>} : memref<128x128xf32, #tpu.memory_space<vmem>>, vector<1x16xf32>,
        %get3A_267 = vector.shape_cast %get3A_266 : vector<1x16xf32> to vector<16xf32>
        %mul3A_268 = arith.constant 11.3137083 : f32
        %mul3A_269 = vector.broadcast %mul3A_268 : f32 to vector<16xf32>
        %mul3A_270 = arith.mulf %get3A_267, %mul3A_269 : vector<16xf32>
        %mul3A_271 = arith.constant 2 : i32
        %mul3A_272 = arith.muli %mul3A_271, %scan3A_241 : i32
        %add3A_273 = arith.constant 0 : i32
        %add3A_274 = arith.addi %mul3A_272, %add3A_273 : i32
        %swap3A_275 = arith.index_cast %add3A_274 : i32 to index
        %swap3A_276 = arith.constant 16 : index
        %swap3A_277 = tpu.vector_load %arg6[%swap3A_275, %swap3A_276] {strides = array<i32>} : memref<128x128xf32, #tpu.memory_space<vmem>>, vector<1x16xf32>,
        %swap3A_278 = vector.shape_cast %swap3A_277 : vector<1x16xf32> to vector<16xf32>
        %swap3A_279 = vector.shape_cast %mul3A_270 : vector<16xf32> to vector<1x16xf32>
        tpu.vector_store %arg6[%swap3A_275, %swap3A_276], %swap3A_279 {strides = array<i32>} : memref<128x128xf32, #tpu.memory_space<vmem>>, vector<1x16xf32>,
        %mul3A_280 = arith.constant 2 : i32
        %mul3A_281 = arith.muli %mul3A_280, %scan3A_241 : i32
        %add3A_282 = arith.constant 0 : i32
        %add3A_283 = arith.addi %mul3A_281, %add3A_282 : i32
        %get3A_284 = arith.index_cast %add3A_283 : i32 to index
        %get3A_285 = arith.constant 32 : index
        %get3A_286 = tpu.vector_load %arg6[%get3A_284, %get3A_285] {strides = array<i32>} : memref<128x128xf32, #tpu.memory_space<vmem>>, vector<1x16xf32>,
        %get3A_287 = vector.shape_cast %get3A_286 : vector<1x16xf32> to vector<16xf32>
        %mul3A_288 = arith.constant 11.3137083 : f32
        %mul3A_289 = vector.broadcast %mul3A_288 : f32 to vector<16xf32>
        %mul3A_290 = arith.mulf %get3A_287, %mul3A_289 : vector<16xf32>
        %mul3A_291 = arith.constant 2 : i32
        %mul3A_292 = arith.muli %mul3A_291, %scan3A_241 : i32
        %add3A_293 = arith.constant 0 : i32
        %add3A_294 = arith.addi %mul3A_292, %add3A_293 : i32
        %swap3A_295 = arith.index_cast %add3A_294 : i32 to index
        %swap3A_296 = arith.constant 32 : index
        %swap3A_297 = tpu.vector_load %arg6[%swap3A_295, %swap3A_296] {strides = array<i32>} : memref<128x128xf32, #tpu.memory_space<vmem>>, vector<1x16xf32>,
        %swap3A_298 = vector.shape_cast %swap3A_297 : vector<1x16xf32> to vector<16xf32>
        %swap3A_299 = vector.shape_cast %mul3A_290 : vector<16xf32> to vector<1x16xf32>
        tpu.vector_store %arg6[%swap3A_295, %swap3A_296], %swap3A_299 {strides = array<i32>} : memref<128x128xf32, #tpu.memory_space<vmem>>, vector<1x16xf32>,
        %mul3A_300 = arith.constant 2 : i32
        %mul3A_301 = arith.muli %mul3A_300, %scan3A_241 : i32
        %add3A_302 = arith.constant 0 : i32
        %add3A_303 = arith.addi %mul3A_301, %add3A_302 : i32
        %get3A_304 = arith.index_cast %add3A_303 : i32 to index
        %get3A_305 = arith.constant 48 : index
        %get3A_306 = tpu.vector_load %arg6[%get3A_304, %get3A_305] {strides = array<i32>} : memref<128x128xf32, #tpu.memory_space<vmem>>, vector<1x16xf32>,
        %get3A_307 = vector.shape_cast %get3A_306 : vector<1x16xf32> to vector<16xf32>
        %mul3A_308 = arith.constant 11.3137083 : f32
        %mul3A_309 = vector.broadcast %mul3A_308 : f32 to vector<16xf32>
        %mul3A_310 = arith.mulf %get3A_307, %mul3A_309 : vector<16xf32>
        %mul3A_311 = arith.constant 2 : i32
        %mul3A_312 = arith.muli %mul3A_311, %scan3A_241 : i32
        %add3A_313 = arith.constant 0 : i32
        %add3A_314 = arith.addi %mul3A_312, %add3A_313 : i32
        %swap3A_315 = arith.index_cast %add3A_314 : i32 to index
        %swap3A_316 = arith.constant 48 : index
        %swap3A_317 = tpu.vector_load %arg6[%swap3A_315, %swap3A_316] {strides = array<i32>} : memref<128x128xf32, #tpu.memory_space<vmem>>, vector<1x16xf32>,
        %swap3A_318 = vector.shape_cast %swap3A_317 : vector<1x16xf32> to vector<16xf32>
        %swap3A_319 = vector.shape_cast %mul3A_310 : vector<16xf32> to vector<1x16xf32>
        tpu.vector_store %arg6[%swap3A_315, %swap3A_316], %swap3A_319 {strides = array<i32>} : memref<128x128xf32, #tpu.memory_space<vmem>>, vector<1x16xf32>,
        %mul3A_320 = arith.constant 2 : i32
        %mul3A_321 = arith.muli %mul3A_320, %scan3A_241 : i32
        %add3A_322 = arith.constant 0 : i32
        %add3A_323 = arith.addi %mul3A_321, %add3A_322 : i32
        %get3A_324 = arith.index_cast %add3A_323 : i32 to index
        %get3A_325 = arith.constant 64 : index
        %get3A_326 = tpu.vector_load %arg6[%get3A_324, %get3A_325] {strides = array<i32>} : memref<128x128xf32, #tpu.memory_space<vmem>>, vector<1x16xf32>,
        %get3A_327 = vector.shape_cast %get3A_326 : vector<1x16xf32> to vector<16xf32>
        %mul3A_328 = arith.constant 11.3137083 : f32
        %mul3A_329 = vector.broadcast %mul3A_328 : f32 to vector<16xf32>
        %mul3A_330 = arith.mulf %get3A_327, %mul3A_329 : vector<16xf32>
        %mul3A_331 = arith.constant 2 : i32
        %mul3A_332 = arith.muli %mul3A_331, %scan3A_241 : i32
        %add3A_333 = arith.constant 0 : i32
        %add3A_334 = arith.addi %mul3A_332, %add3A_333 : i32
        %swap3A_335 = arith.index_cast %add3A_334 : i32 to index
        %swap3A_336 = arith.constant 64 : index
        %swap3A_337 = tpu.vector_load %arg6[%swap3A_335, %swap3A_336] {strides = array<i32>} : memref<128x128xf32, #tpu.memory_space<vmem>>, vector<1x16xf32>,
        %swap3A_338 = vector.shape_cast %swap3A_337 : vector<1x16xf32> to vector<16xf32>
        %swap3A_339 = vector.shape_cast %mul3A_330 : vector<16xf32> to vector<1x16xf32>
        tpu.vector_store %arg6[%swap3A_335, %swap3A_336], %swap3A_339 {strides = array<i32>} : memref<128x128xf32, #tpu.memory_space<vmem>>, vector<1x16xf32>,
        %mul3A_340 = arith.constant 2 : i32
        %mul3A_341 = arith.muli %mul3A_340, %scan3A_241 : i32
        %add3A_342 = arith.constant 0 : i32
        %add3A_343 = arith.addi %mul3A_341, %add3A_342 : i32
        %get3A_344 = arith.index_cast %add3A_343 : i32 to index
        %get3A_345 = arith.constant 80 : index
        %get3A_346 = tpu.vector_load %arg6[%get3A_344, %get3A_345] {strides = array<i32>} : memref<128x128xf32, #tpu.memory_space<vmem>>, vector<1x16xf32>,
        %get3A_347 = vector.shape_cast %get3A_346 : vector<1x16xf32> to vector<16xf32>
        %mul3A_348 = arith.constant 11.3137083 : f32
        %mul3A_349 = vector.broadcast %mul3A_348 : f32 to vector<16xf32>
        %mul3A_350 = arith.mulf %get3A_347, %mul3A_349 : vector<16xf32>
        %mul3A_351 = arith.constant 2 : i32
        %mul3A_352 = arith.muli %mul3A_351, %scan3A_241 : i32
        %add3A_353 = arith.constant 0 : i32
        %add3A_354 = arith.addi %mul3A_352, %add3A_353 : i32
        %swap3A_355 = arith.index_cast %add3A_354 : i32 to index
        %swap3A_356 = arith.constant 80 : index
        %swap3A_357 = tpu.vector_load %arg6[%swap3A_355, %swap3A_356] {strides = array<i32>} : memref<128x128xf32, #tpu.memory_space<vmem>>, vector<1x16xf32>,
        %swap3A_358 = vector.shape_cast %swap3A_357 : vector<1x16xf32> to vector<16xf32>
        %swap3A_359 = vector.shape_cast %mul3A_350 : vector<16xf32> to vector<1x16xf32>
        tpu.vector_store %arg6[%swap3A_355, %swap3A_356], %swap3A_359 {strides = array<i32>} : memref<128x128xf32, #tpu.memory_space<vmem>>, vector<1x16xf32>,
        %mul3A_360 = arith.constant 2 : i32
        %mul3A_361 = arith.muli %mul3A_360, %scan3A_241 : i32
        %add3A_362 = arith.constant 0 : i32
        %add3A_363 = arith.addi %mul3A_361, %add3A_362 : i32
        %get3A_364 = arith.index_cast %add3A_363 : i32 to index
        %get3A_365 = arith.constant 96 : index
        %get3A_366 = tpu.vector_load %arg6[%get3A_364, %get3A_365] {strides = array<i32>} : memref<128x128xf32, #tpu.memory_space<vmem>>, vector<1x16xf32>,
        %get3A_367 = vector.shape_cast %get3A_366 : vector<1x16xf32> to vector<16xf32>
        %mul3A_368 = arith.constant 11.3137083 : f32
        %mul3A_369 = vector.broadcast %mul3A_368 : f32 to vector<16xf32>
        %mul3A_370 = arith.mulf %get3A_367, %mul3A_369 : vector<16xf32>
        %mul3A_371 = arith.constant 2 : i32
        %mul3A_372 = arith.muli %mul3A_371, %scan3A_241 : i32
        %add3A_373 = arith.constant 0 : i32
        %add3A_374 = arith.addi %mul3A_372, %add3A_373 : i32
        %swap3A_375 = arith.index_cast %add3A_374 : i32 to index
        %swap3A_376 = arith.constant 96 : index
        %swap3A_377 = tpu.vector_load %arg6[%swap3A_375, %swap3A_376] {strides = array<i32>} : memref<128x128xf32, #tpu.memory_space<vmem>>, vector<1x16xf32>,
        %swap3A_378 = vector.shape_cast %swap3A_377 : vector<1x16xf32> to vector<16xf32>
        %swap3A_379 = vector.shape_cast %mul3A_370 : vector<16xf32> to vector<1x16xf32>
        tpu.vector_store %arg6[%swap3A_375, %swap3A_376], %swap3A_379 {strides = array<i32>} : memref<128x128xf32, #tpu.memory_space<vmem>>, vector<1x16xf32>,
        %mul3A_380 = arith.constant 2 : i32
        %mul3A_381 = arith.muli %mul3A_380, %scan3A_241 : i32
        %add3A_382 = arith.constant 0 : i32
        %add3A_383 = arith.addi %mul3A_381, %add3A_382 : i32
        %get3A_384 = arith.index_cast %add3A_383 : i32 to index
        %get3A_385 = arith.constant 112 : index
        %get3A_386 = tpu.vector_load %arg6[%get3A_384, %get3A_385] {strides = array<i32>} : memref<128x128xf32, #tpu.memory_space<vmem>>, vector<1x16xf32>,
        %get3A_387 = vector.shape_cast %get3A_386 : vector<1x16xf32> to vector<16xf32>
        %mul3A_388 = arith.constant 11.3137083 : f32
        %mul3A_389 = vector.broadcast %mul3A_388 : f32 to vector<16xf32>
        %mul3A_390 = arith.mulf %get3A_387, %mul3A_389 : vector<16xf32>
        %mul3A_391 = arith.constant 2 : i32
        %mul3A_392 = arith.muli %mul3A_391, %scan3A_241 : i32
        %add3A_393 = arith.constant 0 : i32
        %add3A_394 = arith.addi %mul3A_392, %add3A_393 : i32
        %swap3A_395 = arith.index_cast %add3A_394 : i32 to index
        %swap3A_396 = arith.constant 112 : index
        %swap3A_397 = tpu.vector_load %arg6[%swap3A_395, %swap3A_396] {strides = array<i32>} : memref<128x128xf32, #tpu.memory_space<vmem>>, vector<1x16xf32>,
        %swap3A_398 = vector.shape_cast %swap3A_397 : vector<1x16xf32> to vector<16xf32>
        %swap3A_399 = vector.shape_cast %mul3A_390 : vector<16xf32> to vector<1x16xf32>
        tpu.vector_store %arg6[%swap3A_395, %swap3A_396], %swap3A_399 {strides = array<i32>} : memref<128x128xf32, #tpu.memory_space<vmem>>, vector<1x16xf32>,
        %mul3A_400 = arith.constant 2 : i32
        %mul3A_401 = arith.muli %mul3A_400, %scan3A_241 : i32
        %add3A_402 = arith.constant 1 : i32
        %add3A_403 = arith.addi %mul3A_401, %add3A_402 : i32
        %get3A_404 = arith.index_cast %add3A_403 : i32 to index
        %get3A_405 = arith.constant 0 : index
        %get3A_406 = tpu.vector_load %arg6[%get3A_404, %get3A_405] {strides = array<i32>} : memref<128x128xf32, #tpu.memory_space<vmem>>, vector<1x16xf32>,
        %get3A_407 = vector.shape_cast %get3A_406 : vector<1x16xf32> to vector<16xf32>
        %mul3A_408 = arith.constant 11.3137083 : f32
        %mul3A_409 = vector.broadcast %mul3A_408 : f32 to vector<16xf32>
        %mul3A_410 = arith.mulf %get3A_407, %mul3A_409 : vector<16xf32>
        %mul3A_411 = arith.constant 2 : i32
        %mul3A_412 = arith.muli %mul3A_411, %scan3A_241 : i32
        %add3A_413 = arith.constant 1 : i32
        %add3A_414 = arith.addi %mul3A_412, %add3A_413 : i32
        %swap3A_415 = arith.index_cast %add3A_414 : i32 to index
        %swap3A_416 = arith.constant 0 : index
        %swap3A_417 = tpu.vector_load %arg6[%swap3A_415, %swap3A_416] {strides = array<i32>} : memref<128x128xf32, #tpu.memory_space<vmem>>, vector<1x16xf32>,
        %swap3A_418 = vector.shape_cast %swap3A_417 : vector<1x16xf32> to vector<16xf32>
        %swap3A_419 = vector.shape_cast %mul3A_410 : vector<16xf32> to vector<1x16xf32>
        tpu.vector_store %arg6[%swap3A_415, %swap3A_416], %swap3A_419 {strides = array<i32>} : memref<128x128xf32, #tpu.memory_space<vmem>>, vector<1x16xf32>,
        %mul3A_420 = arith.constant 2 : i32
        %mul3A_421 = arith.muli %mul3A_420, %scan3A_241 : i32
        %add3A_422 = arith.constant 1 : i32
        %add3A_423 = arith.addi %mul3A_421, %add3A_422 : i32
        %get3A_424 = arith.index_cast %add3A_423 : i32 to index
        %get3A_425 = arith.constant 16 : index
        %get3A_426 = tpu.vector_load %arg6[%get3A_424, %get3A_425] {strides = array<i32>} : memref<128x128xf32, #tpu.memory_space<vmem>>, vector<1x16xf32>,
        %get3A_427 = vector.shape_cast %get3A_426 : vector<1x16xf32> to vector<16xf32>
        %mul3A_428 = arith.constant 11.3137083 : f32
        %mul3A_429 = vector.broadcast %mul3A_428 : f32 to vector<16xf32>
        %mul3A_430 = arith.mulf %get3A_427, %mul3A_429 : vector<16xf32>
        %mul3A_431 = arith.constant 2 : i32
        %mul3A_432 = arith.muli %mul3A_431, %scan3A_241 : i32
        %add3A_433 = arith.constant 1 : i32
        %add3A_434 = arith.addi %mul3A_432, %add3A_433 : i32
        %swap3A_435 = arith.index_cast %add3A_434 : i32 to index
        %swap3A_436 = arith.constant 16 : index
        %swap3A_437 = tpu.vector_load %arg6[%swap3A_435, %swap3A_436] {strides = array<i32>} : memref<128x128xf32, #tpu.memory_space<vmem>>, vector<1x16xf32>,
        %swap3A_438 = vector.shape_cast %swap3A_437 : vector<1x16xf32> to vector<16xf32>
        %swap3A_439 = vector.shape_cast %mul3A_430 : vector<16xf32> to vector<1x16xf32>
        tpu.vector_store %arg6[%swap3A_435, %swap3A_436], %swap3A_439 {strides = array<i32>} : memref<128x128xf32, #tpu.memory_space<vmem>>, vector<1x16xf32>,
        %mul3A_440 = arith.constant 2 : i32
        %mul3A_441 = arith.muli %mul3A_440, %scan3A_241 : i32
        %add3A_442 = arith.constant 1 : i32
        %add3A_443 = arith.addi %mul3A_441, %add3A_442 : i32
        %get3A_444 = arith.index_cast %add3A_443 : i32 to index
        %get3A_445 = arith.constant 32 : index
        %get3A_446 = tpu.vector_load %arg6[%get3A_444, %get3A_445] {strides = array<i32>} : memref<128x128xf32, #tpu.memory_space<vmem>>, vector<1x16xf32>,
        %get3A_447 = vector.shape_cast %get3A_446 : vector<1x16xf32> to vector<16xf32>
        %mul3A_448 = arith.constant 11.3137083 : f32
        %mul3A_449 = vector.broadcast %mul3A_448 : f32 to vector<16xf32>
        %mul3A_450 = arith.mulf %get3A_447, %mul3A_449 : vector<16xf32>
        %mul3A_451 = arith.constant 2 : i32
        %mul3A_452 = arith.muli %mul3A_451, %scan3A_241 : i32
        %add3A_453 = arith.constant 1 : i32
        %add3A_454 = arith.addi %mul3A_452, %add3A_453 : i32
        %swap3A_455 = arith.index_cast %add3A_454 : i32 to index
        %swap3A_456 = arith.constant 32 : index
        %swap3A_457 = tpu.vector_load %arg6[%swap3A_455, %swap3A_456] {strides = array<i32>} : memref<128x128xf32, #tpu.memory_space<vmem>>, vector<1x16xf32>,
        %swap3A_458 = vector.shape_cast %swap3A_457 : vector<1x16xf32> to vector<16xf32>
        %swap3A_459 = vector.shape_cast %mul3A_450 : vector<16xf32> to vector<1x16xf32>
        tpu.vector_store %arg6[%swap3A_455, %swap3A_456], %swap3A_459 {strides = array<i32>} : memref<128x128xf32, #tpu.memory_space<vmem>>, vector<1x16xf32>,
        %mul3A_460 = arith.constant 2 : i32
        %mul3A_461 = arith.muli %mul3A_460, %scan3A_241 : i32
        %add3A_462 = arith.constant 1 : i32
        %add3A_463 = arith.addi %mul3A_461, %add3A_462 : i32
        %get3A_464 = arith.index_cast %add3A_463 : i32 to index
        %get3A_465 = arith.constant 48 : index
        %get3A_466 = tpu.vector_load %arg6[%get3A_464, %get3A_465] {strides = array<i32>} : memref<128x128xf32, #tpu.memory_space<vmem>>, vector<1x16xf32>,
        %get3A_467 = vector.shape_cast %get3A_466 : vector<1x16xf32> to vector<16xf32>
        %mul3A_468 = arith.constant 11.3137083 : f32
        %mul3A_469 = vector.broadcast %mul3A_468 : f32 to vector<16xf32>
        %mul3A_470 = arith.mulf %get3A_467, %mul3A_469 : vector<16xf32>
        %mul3A_471 = arith.constant 2 : i32
        %mul3A_472 = arith.muli %mul3A_471, %scan3A_241 : i32
        %add3A_473 = arith.constant 1 : i32
        %add3A_474 = arith.addi %mul3A_472, %add3A_473 : i32
        %swap3A_475 = arith.index_cast %add3A_474 : i32 to index
        %swap3A_476 = arith.constant 48 : index
        %swap3A_477 = tpu.vector_load %arg6[%swap3A_475, %swap3A_476] {strides = array<i32>} : memref<128x128xf32, #tpu.memory_space<vmem>>, vector<1x16xf32>,
        %swap3A_478 = vector.shape_cast %swap3A_477 : vector<1x16xf32> to vector<16xf32>
        %swap3A_479 = vector.shape_cast %mul3A_470 : vector<16xf32> to vector<1x16xf32>
        tpu.vector_store %arg6[%swap3A_475, %swap3A_476], %swap3A_479 {strides = array<i32>} : memref<128x128xf32, #tpu.memory_space<vmem>>, vector<1x16xf32>,
        %mul3A_480 = arith.constant 2 : i32
        %mul3A_481 = arith.muli %mul3A_480, %scan3A_241 : i32
        %add3A_482 = arith.constant 1 : i32
        %add3A_483 = arith.addi %mul3A_481, %add3A_482 : i32
        %get3A_484 = arith.index_cast %add3A_483 : i32 to index
        %get3A_485 = arith.constant 64 : index
        %get3A_486 = tpu.vector_load %arg6[%get3A_484, %get3A_485] {strides = array<i32>} : memref<128x128xf32, #tpu.memory_space<vmem>>, vector<1x16xf32>,
        %get3A_487 = vector.shape_cast %get3A_486 : vector<1x16xf32> to vector<16xf32>
        %mul3A_488 = arith.constant 11.3137083 : f32
        %mul3A_489 = vector.broadcast %mul3A_488 : f32 to vector<16xf32>
        %mul3A_490 = arith.mulf %get3A_487, %mul3A_489 : vector<16xf32>
        %mul3A_491 = arith.constant 2 : i32
        %mul3A_492 = arith.muli %mul3A_491, %scan3A_241 : i32
        %add3A_493 = arith.constant 1 : i32
        %add3A_494 = arith.addi %mul3A_492, %add3A_493 : i32
        %swap3A_495 = arith.index_cast %add3A_494 : i32 to index
        %swap3A_496 = arith.constant 64 : index
        %swap3A_497 = tpu.vector_load %arg6[%swap3A_495, %swap3A_496] {strides = array<i32>} : memref<128x128xf32, #tpu.memory_space<vmem>>, vector<1x16xf32>,
        %swap3A_498 = vector.shape_cast %swap3A_497 : vector<1x16xf32> to vector<16xf32>
        %swap3A_499 = vector.shape_cast %mul3A_490 : vector<16xf32> to vector<1x16xf32>
        tpu.vector_store %arg6[%swap3A_495, %swap3A_496], %swap3A_499 {strides = array<i32>} : memref<128x128xf32, #tpu.memory_space<vmem>>, vector<1x16xf32>,
        %mul3A_500 = arith.constant 2 : i32
        %mul3A_501 = arith.muli %mul3A_500, %scan3A_241 : i32
        %add3A_502 = arith.constant 1 : i32
        %add3A_503 = arith.addi %mul3A_501, %add3A_502 : i32
        %get3A_504 = arith.index_cast %add3A_503 : i32 to index
        %get3A_505 = arith.constant 80 : index
        %get3A_506 = tpu.vector_load %arg6[%get3A_504, %get3A_505] {strides = array<i32>} : memref<128x128xf32, #tpu.memory_space<vmem>>, vector<1x16xf32>,
        %get3A_507 = vector.shape_cast %get3A_506 : vector<1x16xf32> to vector<16xf32>
        %mul3A_508 = arith.constant 11.3137083 : f32
        %mul3A_509 = vector.broadcast %mul3A_508 : f32 to vector<16xf32>
        %mul3A_510 = arith.mulf %get3A_507, %mul3A_509 : vector<16xf32>
        %mul3A_511 = arith.constant 2 : i32
        %mul3A_512 = arith.muli %mul3A_511, %scan3A_241 : i32
        %add3A_513 = arith.constant 1 : i32
        %add3A_514 = arith.addi %mul3A_512, %add3A_513 : i32
        %swap3A_515 = arith.index_cast %add3A_514 : i32 to index
        %swap3A_516 = arith.constant 80 : index
        %swap3A_517 = tpu.vector_load %arg6[%swap3A_515, %swap3A_516] {strides = array<i32>} : memref<128x128xf32, #tpu.memory_space<vmem>>, vector<1x16xf32>,
        %swap3A_518 = vector.shape_cast %swap3A_517 : vector<1x16xf32> to vector<16xf32>
        %swap3A_519 = vector.shape_cast %mul3A_510 : vector<16xf32> to vector<1x16xf32>
        tpu.vector_store %arg6[%swap3A_515, %swap3A_516], %swap3A_519 {strides = array<i32>} : memref<128x128xf32, #tpu.memory_space<vmem>>, vector<1x16xf32>,
        %mul3A_520 = arith.constant 2 : i32
        %mul3A_521 = arith.muli %mul3A_520, %scan3A_241 : i32
        %add3A_522 = arith.constant 1 : i32
        %add3A_523 = arith.addi %mul3A_521, %add3A_522 : i32
        %get3A_524 = arith.index_cast %add3A_523 : i32 to index
        %get3A_525 = arith.constant 96 : index
        %get3A_526 = tpu.vector_load %arg6[%get3A_524, %get3A_525] {strides = array<i32>} : memref<128x128xf32, #tpu.memory_space<vmem>>, vector<1x16xf32>,
        %get3A_527 = vector.shape_cast %get3A_526 : vector<1x16xf32> to vector<16xf32>
        %mul3A_528 = arith.constant 11.3137083 : f32
        %mul3A_529 = vector.broadcast %mul3A_528 : f32 to vector<16xf32>
        %mul3A_530 = arith.mulf %get3A_527, %mul3A_529 : vector<16xf32>
        %mul3A_531 = arith.constant 2 : i32
        %mul3A_532 = arith.muli %mul3A_531, %scan3A_241 : i32
        %add3A_533 = arith.constant 1 : i32
        %add3A_534 = arith.addi %mul3A_532, %add3A_533 : i32
        %swap3A_535 = arith.index_cast %add3A_534 : i32 to index
        %swap3A_536 = arith.constant 96 : index
        %swap3A_537 = tpu.vector_load %arg6[%swap3A_535, %swap3A_536] {strides = array<i32>} : memref<128x128xf32, #tpu.memory_space<vmem>>, vector<1x16xf32>,
        %swap3A_538 = vector.shape_cast %swap3A_537 : vector<1x16xf32> to vector<16xf32>
        %swap3A_539 = vector.shape_cast %mul3A_530 : vector<16xf32> to vector<1x16xf32>
        tpu.vector_store %arg6[%swap3A_535, %swap3A_536], %swap3A_539 {strides = array<i32>} : memref<128x128xf32, #tpu.memory_space<vmem>>, vector<1x16xf32>,
        %mul3A_540 = arith.constant 2 : i32
        %mul3A_541 = arith.muli %mul3A_540, %scan3A_241 : i32
        %add3A_542 = arith.constant 1 : i32
        %add3A_543 = arith.addi %mul3A_541, %add3A_542 : i32
        %get3A_544 = arith.index_cast %add3A_543 : i32 to index
        %get3A_545 = arith.constant 112 : index
        %get3A_546 = tpu.vector_load %arg6[%get3A_544, %get3A_545] {strides = array<i32>} : memref<128x128xf32, #tpu.memory_space<vmem>>, vector<1x16xf32>,
        %get3A_547 = vector.shape_cast %get3A_546 : vector<1x16xf32> to vector<16xf32>
        %mul3A_548 = arith.constant 11.3137083 : f32
        %mul3A_549 = vector.broadcast %mul3A_548 : f32 to vector<16xf32>
        %mul3A_550 = arith.mulf %get3A_547, %mul3A_549 : vector<16xf32>
        %mul3A_551 = arith.constant 2 : i32
        %mul3A_552 = arith.muli %mul3A_551, %scan3A_241 : i32
        %add3A_553 = arith.constant 1 : i32
        %add3A_554 = arith.addi %mul3A_552, %add3A_553 : i32
        %swap3A_555 = arith.index_cast %add3A_554 : i32 to index
        %swap3A_556 = arith.constant 112 : index
        %swap3A_557 = tpu.vector_load %arg6[%swap3A_555, %swap3A_556] {strides = array<i32>} : memref<128x128xf32, #tpu.memory_space<vmem>>, vector<1x16xf32>,
        %swap3A_558 = vector.shape_cast %swap3A_557 : vector<1x16xf32> to vector<16xf32>
        %swap3A_559 = vector.shape_cast %mul3A_550 : vector<16xf32> to vector<1x16xf32>
        tpu.vector_store %arg6[%swap3A_555, %swap3A_556], %swap3A_559 {strides = array<i32>} : memref<128x128xf32, #tpu.memory_space<vmem>>, vector<1x16xf32>,
      }
      %scan3A_109 = arith.constant 64 : i32
      %add3A_110 = arith.constant 0 : i32
      %add3A_111 = arith.addi %mul3A_88, %add3A_110 : i32
      %mul3A_112 = arith.constant 128 : i32
      %mul3A_113 = arith.muli %add3A_111, %mul3A_112 : i32
      %add3A_114 = arith.addi %mul3A_2, %mul3A_113 : i32
      %dma_start3A_115 = arith.constant 0 : i32
      %dma_start3A_116 = tpu.memref_slice %arg4[%add3A_114, %dma_start3A_115] : memref<819200x128xf32, #tpu.memory_space<hbm>> -> memref<128x128xf32, #tpu.memory_space<hbm>>
      %dma_start3A_117 = arith.constant 0 : i32
      %dma_start3A_118 = tpu.memref_slice %arg4[%add3A_114, %dma_start3A_117] : memref<819200x128xf32, #tpu.memory_space<hbm>> -> memref<128x128xf32, #tpu.memory_space<hbm>>
      tpu.enqueue_dma source(%arg6 : memref<128x128xf32, #tpu.memory_space<vmem>>) target(%dma_start3A_118 : memref<128x128xf32, #tpu.memory_space<hbm>>) target_semaphore(%arg16 : memref<!tpu.dma_semaphore, #tpu.memory_space<semaphore_mem>>)
      %add3A_119 = arith.constant 1 : i32
      %add3A_120 = arith.addi %mul3A_88, %add3A_119 : i32
      %mul3A_121 = arith.constant 1 : i32
      %mul3A_122 = arith.muli %mul3A_121, %add3A_120 : i32
      %add3A_123 = arith.constant 0 : i32
      %add3A_124 = arith.addi %mul3A_122, %add3A_123 : i32
      %dma_wait3A_125 = arith.constant 0 : i32
      %dma_wait3A_126 = arith.constant 0 : i32
      %dma_wait3A_127 = tpu.memref_slice %arg7[%dma_wait3A_125, %dma_wait3A_126] : memref<128x128xf32, #tpu.memory_space<vmem>> -> memref<128x128xf32, #tpu.memory_space<vmem>>
      %dma_wait3A_128 = arith.constant 0 : i32
      %dma_wait3A_129 = tpu.memref_slice %arg5[%add3A_124, %dma_wait3A_128] : memref<200x128xi32, #tpu.memory_space<vmem>> -> memref<1x128xi32, #tpu.memory_space<vmem>>
      %dma_wait3A_130 = tpu.memref_squeeze %dma_wait3A_129 : memref<1x128xi32, #tpu.memory_space<vmem>> -> memref<128xi32, #tpu.memory_space<vmem>>
      %dma_wait3A_131 = arith.constant 0 : i32
      %dma_wait3A_132 = arith.constant 0 : i32
      %dma_wait3A_133 = tpu.memref_slice %arg2[%dma_wait3A_131, %dma_wait3A_132] : memref<100000x128xf32, #tpu.memory_space<hbm>> -> memref<100000x128xf32, #tpu.memory_space<hbm>>
      tpu.wait_indirect_dma semaphore(%arg12 : memref<!tpu.dma_semaphore, #tpu.memory_space<semaphore_mem>>) src(%dma_wait3A_133 : memref<100000x128xf32, #tpu.memory_space<hbm>>) dst(%dma_wait3A_127 : memref<128x128xf32, #tpu.memory_space<vmem>>)
      %scan3A_134 = arith.constant 0 : i32
      %scan3A_135 = arith.constant 0 : i32
      %scan3A_136 = arith.constant 64 : i32
      %scan3A_137 = arith.addi %scan3A_135, %scan3A_136 : i32
      %scan3A_138 = arith.constant 1 : i32
      scf.for %scan3A_241 = %scan3A_135 to %scan3A_137 step %scan3A_138  : i32 {
        %mul3A_242 = arith.constant 2 : i32
        %mul3A_243 = arith.muli %mul3A_242, %scan3A_241 : i32
        %add3A_244 = arith.constant 0 : i32
        %add3A_245 = arith.addi %mul3A_243, %add3A_244 : i32
        %get3A = arith.index_cast %add3A_245 : i32 to index
        %get3A_246 = arith.constant 0 : index
        %get3A_247 = tpu.vector_load %arg7[%get3A, %get3A_246] {strides = array<i32>} : memref<128x128xf32, #tpu.memory_space<vmem>>, vector<1x16xf32>,
        %get3A_248 = vector.shape_cast %get3A_247 : vector<1x16xf32> to vector<16xf32>
        %mul3A_249 = arith.constant 11.3137083 : f32
        %mul3A_250 = vector.broadcast %mul3A_249 : f32 to vector<16xf32>
        %mul3A_251 = arith.mulf %get3A_248, %mul3A_250 : vector<16xf32>
        %mul3A_252 = arith.constant 2 : i32
        %mul3A_253 = arith.muli %mul3A_252, %scan3A_241 : i32
        %add3A_254 = arith.constant 0 : i32
        %add3A_255 = arith.addi %mul3A_253, %add3A_254 : i32
        %swap3A = arith.index_cast %add3A_255 : i32 to index
        %swap3A_256 = arith.constant 0 : index
        %swap3A_257 = tpu.vector_load %arg7[%swap3A, %swap3A_256] {strides = array<i32>} : memref<128x128xf32, #tpu.memory_space<vmem>>, vector<1x16xf32>,
        %swap3A_258 = vector.shape_cast %swap3A_257 : vector<1x16xf32> to vector<16xf32>
        %swap3A_259 = vector.shape_cast %mul3A_251 : vector<16xf32> to vector<1x16xf32>
        tpu.vector_store %arg7[%swap3A, %swap3A_256], %swap3A_259 {strides = array<i32>} : memref<128x128xf32, #tpu.memory_space<vmem>>, vector<1x16xf32>,
        %mul3A_260 = arith.constant 2 : i32
        %mul3A_261 = arith.muli %mul3A_260, %scan3A_241 : i32
        %add3A_262 = arith.constant 0 : i32
        %add3A_263 = arith.addi %mul3A_261, %add3A_262 : i32
        %get3A_264 = arith.index_cast %add3A_263 : i32 to index
        %get3A_265 = arith.constant 16 : index
        %get3A_266 = tpu.vector_load %arg7[%get3A_264, %get3A_265] {strides = array<i32>} : memref<128x128xf32, #tpu.memory_space<vmem>>, vector<1x16xf32>,
        %get3A_267 = vector.shape_cast %get3A_266 : vector<1x16xf32> to vector<16xf32>
        %mul3A_268 = arith.constant 11.3137083 : f32
        %mul3A_269 = vector.broadcast %mul3A_268 : f32 to vector<16xf32>
        %mul3A_270 = arith.mulf %get3A_267, %mul3A_269 : vector<16xf32>
        %mul3A_271 = arith.constant 2 : i32
        %mul3A_272 = arith.muli %mul3A_271, %scan3A_241 : i32
        %add3A_273 = arith.constant 0 : i32
        %add3A_274 = arith.addi %mul3A_272, %add3A_273 : i32
        %swap3A_275 = arith.index_cast %add3A_274 : i32 to index
        %swap3A_276 = arith.constant 16 : index
        %swap3A_277 = tpu.vector_load %arg7[%swap3A_275, %swap3A_276] {strides = array<i32>} : memref<128x128xf32, #tpu.memory_space<vmem>>, vector<1x16xf32>,
        %swap3A_278 = vector.shape_cast %swap3A_277 : vector<1x16xf32> to vector<16xf32>
        %swap3A_279 = vector.shape_cast %mul3A_270 : vector<16xf32> to vector<1x16xf32>
        tpu.vector_store %arg7[%swap3A_275, %swap3A_276], %swap3A_279 {strides = array<i32>} : memref<128x128xf32, #tpu.memory_space<vmem>>, vector<1x16xf32>,
        %mul3A_280 = arith.constant 2 : i32
        %mul3A_281 = arith.muli %mul3A_280, %scan3A_241 : i32
        %add3A_282 = arith.constant 0 : i32
        %add3A_283 = arith.addi %mul3A_281, %add3A_282 : i32
        %get3A_284 = arith.index_cast %add3A_283 : i32 to index
        %get3A_285 = arith.constant 32 : index
        %get3A_286 = tpu.vector_load %arg7[%get3A_284, %get3A_285] {strides = array<i32>} : memref<128x128xf32, #tpu.memory_space<vmem>>, vector<1x16xf32>,
        %get3A_287 = vector.shape_cast %get3A_286 : vector<1x16xf32> to vector<16xf32>
        %mul3A_288 = arith.constant 11.3137083 : f32
        %mul3A_289 = vector.broadcast %mul3A_288 : f32 to vector<16xf32>
        %mul3A_290 = arith.mulf %get3A_287, %mul3A_289 : vector<16xf32>
        %mul3A_291 = arith.constant 2 : i32
        %mul3A_292 = arith.muli %mul3A_291, %scan3A_241 : i32
        %add3A_293 = arith.constant 0 : i32
        %add3A_294 = arith.addi %mul3A_292, %add3A_293 : i32
        %swap3A_295 = arith.index_cast %add3A_294 : i32 to index
        %swap3A_296 = arith.constant 32 : index
        %swap3A_297 = tpu.vector_load %arg7[%swap3A_295, %swap3A_296] {strides = array<i32>} : memref<128x128xf32, #tpu.memory_space<vmem>>, vector<1x16xf32>,
        %swap3A_298 = vector.shape_cast %swap3A_297 : vector<1x16xf32> to vector<16xf32>
        %swap3A_299 = vector.shape_cast %mul3A_290 : vector<16xf32> to vector<1x16xf32>
        tpu.vector_store %arg7[%swap3A_295, %swap3A_296], %swap3A_299 {strides = array<i32>} : memref<128x128xf32, #tpu.memory_space<vmem>>, vector<1x16xf32>,
        %mul3A_300 = arith.constant 2 : i32
        %mul3A_301 = arith.muli %mul3A_300, %scan3A_241 : i32
        %add3A_302 = arith.constant 0 : i32
        %add3A_303 = arith.addi %mul3A_301, %add3A_302 : i32
        %get3A_304 = arith.index_cast %add3A_303 : i32 to index
        %get3A_305 = arith.constant 48 : index
        %get3A_306 = tpu.vector_load %arg7[%get3A_304, %get3A_305] {strides = array<i32>} : memref<128x128xf32, #tpu.memory_space<vmem>>, vector<1x16xf32>,
        %get3A_307 = vector.shape_cast %get3A_306 : vector<1x16xf32> to vector<16xf32>
        %mul3A_308 = arith.constant 11.3137083 : f32
        %mul3A_309 = vector.broadcast %mul3A_308 : f32 to vector<16xf32>
        %mul3A_310 = arith.mulf %get3A_307, %mul3A_309 : vector<16xf32>
        %mul3A_311 = arith.constant 2 : i32
        %mul3A_312 = arith.muli %mul3A_311, %scan3A_241 : i32
        %add3A_313 = arith.constant 0 : i32
        %add3A_314 = arith.addi %mul3A_312, %add3A_313 : i32
        %swap3A_315 = arith.index_cast %add3A_314 : i32 to index
        %swap3A_316 = arith.constant 48 : index
        %swap3A_317 = tpu.vector_load %arg7[%swap3A_315, %swap3A_316] {strides = array<i32>} : memref<128x128xf32, #tpu.memory_space<vmem>>, vector<1x16xf32>,
        %swap3A_318 = vector.shape_cast %swap3A_317 : vector<1x16xf32> to vector<16xf32>
        %swap3A_319 = vector.shape_cast %mul3A_310 : vector<16xf32> to vector<1x16xf32>
        tpu.vector_store %arg7[%swap3A_315, %swap3A_316], %swap3A_319 {strides = array<i32>} : memref<128x128xf32, #tpu.memory_space<vmem>>, vector<1x16xf32>,
        %mul3A_320 = arith.constant 2 : i32
        %mul3A_321 = arith.muli %mul3A_320, %scan3A_241 : i32
        %add3A_322 = arith.constant 0 : i32
        %add3A_323 = arith.addi %mul3A_321, %add3A_322 : i32
        %get3A_324 = arith.index_cast %add3A_323 : i32 to index
        %get3A_325 = arith.constant 64 : index
        %get3A_326 = tpu.vector_load %arg7[%get3A_324, %get3A_325] {strides = array<i32>} : memref<128x128xf32, #tpu.memory_space<vmem>>, vector<1x16xf32>,
        %get3A_327 = vector.shape_cast %get3A_326 : vector<1x16xf32> to vector<16xf32>
        %mul3A_328 = arith.constant 11.3137083 : f32
        %mul3A_329 = vector.broadcast %mul3A_328 : f32 to vector<16xf32>
        %mul3A_330 = arith.mulf %get3A_327, %mul3A_329 : vector<16xf32>
        %mul3A_331 = arith.constant 2 : i32
        %mul3A_332 = arith.muli %mul3A_331, %scan3A_241 : i32
        %add3A_333 = arith.constant 0 : i32
        %add3A_334 = arith.addi %mul3A_332, %add3A_333 : i32
        %swap3A_335 = arith.index_cast %add3A_334 : i32 to index
        %swap3A_336 = arith.constant 64 : index
        %swap3A_337 = tpu.vector_load %arg7[%swap3A_335, %swap3A_336] {strides = array<i32>} : memref<128x128xf32, #tpu.memory_space<vmem>>, vector<1x16xf32>,
        %swap3A_338 = vector.shape_cast %swap3A_337 : vector<1x16xf32> to vector<16xf32>
        %swap3A_339 = vector.shape_cast %mul3A_330 : vector<16xf32> to vector<1x16xf32>
        tpu.vector_store %arg7[%swap3A_335, %swap3A_336], %swap3A_339 {strides = array<i32>} : memref<128x128xf32, #tpu.memory_space<vmem>>, vector<1x16xf32>,
        %mul3A_340 = arith.constant 2 : i32
        %mul3A_341 = arith.muli %mul3A_340, %scan3A_241 : i32
        %add3A_342 = arith.constant 0 : i32
        %add3A_343 = arith.addi %mul3A_341, %add3A_342 : i32
        %get3A_344 = arith.index_cast %add3A_343 : i32 to index
        %get3A_345 = arith.constant 80 : index
        %get3A_346 = tpu.vector_load %arg7[%get3A_344, %get3A_345] {strides = array<i32>} : memref<128x128xf32, #tpu.memory_space<vmem>>, vector<1x16xf32>,
        %get3A_347 = vector.shape_cast %get3A_346 : vector<1x16xf32> to vector<16xf32>
        %mul3A_348 = arith.constant 11.3137083 : f32
        %mul3A_349 = vector.broadcast %mul3A_348 : f32 to vector<16xf32>
        %mul3A_350 = arith.mulf %get3A_347, %mul3A_349 : vector<16xf32>
        %mul3A_351 = arith.constant 2 : i32
        %mul3A_352 = arith.muli %mul3A_351, %scan3A_241 : i32
        %add3A_353 = arith.constant 0 : i32
        %add3A_354 = arith.addi %mul3A_352, %add3A_353 : i32
        %swap3A_355 = arith.index_cast %add3A_354 : i32 to index
        %swap3A_356 = arith.constant 80 : index
        %swap3A_357 = tpu.vector_load %arg7[%swap3A_355, %swap3A_356] {strides = array<i32>} : memref<128x128xf32, #tpu.memory_space<vmem>>, vector<1x16xf32>,
        %swap3A_358 = vector.shape_cast %swap3A_357 : vector<1x16xf32> to vector<16xf32>
        %swap3A_359 = vector.shape_cast %mul3A_350 : vector<16xf32> to vector<1x16xf32>
        tpu.vector_store %arg7[%swap3A_355, %swap3A_356], %swap3A_359 {strides = array<i32>} : memref<128x128xf32, #tpu.memory_space<vmem>>, vector<1x16xf32>,
        %mul3A_360 = arith.constant 2 : i32
        %mul3A_361 = arith.muli %mul3A_360, %scan3A_241 : i32
        %add3A_362 = arith.constant 0 : i32
        %add3A_363 = arith.addi %mul3A_361, %add3A_362 : i32
        %get3A_364 = arith.index_cast %add3A_363 : i32 to index
        %get3A_365 = arith.constant 96 : index
        %get3A_366 = tpu.vector_load %arg7[%get3A_364, %get3A_365] {strides = array<i32>} : memref<128x128xf32, #tpu.memory_space<vmem>>, vector<1x16xf32>,
        %get3A_367 = vector.shape_cast %get3A_366 : vector<1x16xf32> to vector<16xf32>
        %mul3A_368 = arith.constant 11.3137083 : f32
        %mul3A_369 = vector.broadcast %mul3A_368 : f32 to vector<16xf32>
        %mul3A_370 = arith.mulf %get3A_367, %mul3A_369 : vector<16xf32>
        %mul3A_371 = arith.constant 2 : i32
        %mul3A_372 = arith.muli %mul3A_371, %scan3A_241 : i32
        %add3A_373 = arith.constant 0 : i32
        %add3A_374 = arith.addi %mul3A_372, %add3A_373 : i32
        %swap3A_375 = arith.index_cast %add3A_374 : i32 to index
        %swap3A_376 = arith.constant 96 : index
        %swap3A_377 = tpu.vector_load %arg7[%swap3A_375, %swap3A_376] {strides = array<i32>} : memref<128x128xf32, #tpu.memory_space<vmem>>, vector<1x16xf32>,
        %swap3A_378 = vector.shape_cast %swap3A_377 : vector<1x16xf32> to vector<16xf32>
        %swap3A_379 = vector.shape_cast %mul3A_370 : vector<16xf32> to vector<1x16xf32>
        tpu.vector_store %arg7[%swap3A_375, %swap3A_376], %swap3A_379 {strides = array<i32>} : memref<128x128xf32, #tpu.memory_space<vmem>>, vector<1x16xf32>,
        %mul3A_380 = arith.constant 2 : i32
        %mul3A_381 = arith.muli %mul3A_380, %scan3A_241 : i32
        %add3A_382 = arith.constant 0 : i32
        %add3A_383 = arith.addi %mul3A_381, %add3A_382 : i32
        %get3A_384 = arith.index_cast %add3A_383 : i32 to index
        %get3A_385 = arith.constant 112 : index
        %get3A_386 = tpu.vector_load %arg7[%get3A_384, %get3A_385] {strides = array<i32>} : memref<128x128xf32, #tpu.memory_space<vmem>>, vector<1x16xf32>,
        %get3A_387 = vector.shape_cast %get3A_386 : vector<1x16xf32> to vector<16xf32>
        %mul3A_388 = arith.constant 11.3137083 : f32
        %mul3A_389 = vector.broadcast %mul3A_388 : f32 to vector<16xf32>
        %mul3A_390 = arith.mulf %get3A_387, %mul3A_389 : vector<16xf32>
        %mul3A_391 = arith.constant 2 : i32
        %mul3A_392 = arith.muli %mul3A_391, %scan3A_241 : i32
        %add3A_393 = arith.constant 0 : i32
        %add3A_394 = arith.addi %mul3A_392, %add3A_393 : i32
        %swap3A_395 = arith.index_cast %add3A_394 : i32 to index
        %swap3A_396 = arith.constant 112 : index
        %swap3A_397 = tpu.vector_load %arg7[%swap3A_395, %swap3A_396] {strides = array<i32>} : memref<128x128xf32, #tpu.memory_space<vmem>>, vector<1x16xf32>,
        %swap3A_398 = vector.shape_cast %swap3A_397 : vector<1x16xf32> to vector<16xf32>
        %swap3A_399 = vector.shape_cast %mul3A_390 : vector<16xf32> to vector<1x16xf32>
        tpu.vector_store %arg7[%swap3A_395, %swap3A_396], %swap3A_399 {strides = array<i32>} : memref<128x128xf32, #tpu.memory_space<vmem>>, vector<1x16xf32>,
        %mul3A_400 = arith.constant 2 : i32
        %mul3A_401 = arith.muli %mul3A_400, %scan3A_241 : i32
        %add3A_402 = arith.constant 1 : i32
        %add3A_403 = arith.addi %mul3A_401, %add3A_402 : i32
        %get3A_404 = arith.index_cast %add3A_403 : i32 to index
        %get3A_405 = arith.constant 0 : index
        %get3A_406 = tpu.vector_load %arg7[%get3A_404, %get3A_405] {strides = array<i32>} : memref<128x128xf32, #tpu.memory_space<vmem>>, vector<1x16xf32>,
        %get3A_407 = vector.shape_cast %get3A_406 : vector<1x16xf32> to vector<16xf32>
        %mul3A_408 = arith.constant 11.3137083 : f32
        %mul3A_409 = vector.broadcast %mul3A_408 : f32 to vector<16xf32>
        %mul3A_410 = arith.mulf %get3A_407, %mul3A_409 : vector<16xf32>
        %mul3A_411 = arith.constant 2 : i32
        %mul3A_412 = arith.muli %mul3A_411, %scan3A_241 : i32
        %add3A_413 = arith.constant 1 : i32
        %add3A_414 = arith.addi %mul3A_412, %add3A_413 : i32
        %swap3A_415 = arith.index_cast %add3A_414 : i32 to index
        %swap3A_416 = arith.constant 0 : index
        %swap3A_417 = tpu.vector_load %arg7[%swap3A_415, %swap3A_416] {strides = array<i32>} : memref<128x128xf32, #tpu.memory_space<vmem>>, vector<1x16xf32>,
        %swap3A_418 = vector.shape_cast %swap3A_417 : vector<1x16xf32> to vector<16xf32>
        %swap3A_419 = vector.shape_cast %mul3A_410 : vector<16xf32> to vector<1x16xf32>
        tpu.vector_store %arg7[%swap3A_415, %swap3A_416], %swap3A_419 {strides = array<i32>} : memref<128x128xf32, #tpu.memory_space<vmem>>, vector<1x16xf32>,
        %mul3A_420 = arith.constant 2 : i32
        %mul3A_421 = arith.muli %mul3A_420, %scan3A_241 : i32
        %add3A_422 = arith.constant 1 : i32
        %add3A_423 = arith.addi %mul3A_421, %add3A_422 : i32
        %get3A_424 = arith.index_cast %add3A_423 : i32 to index
        %get3A_425 = arith.constant 16 : index
        %get3A_426 = tpu.vector_load %arg7[%get3A_424, %get3A_425] {strides = array<i32>} : memref<128x128xf32, #tpu.memory_space<vmem>>, vector<1x16xf32>,
        %get3A_427 = vector.shape_cast %get3A_426 : vector<1x16xf32> to vector<16xf32>
        %mul3A_428 = arith.constant 11.3137083 : f32
        %mul3A_429 = vector.broadcast %mul3A_428 : f32 to vector<16xf32>
        %mul3A_430 = arith.mulf %get3A_427, %mul3A_429 : vector<16xf32>
        %mul3A_431 = arith.constant 2 : i32
        %mul3A_432 = arith.muli %mul3A_431, %scan3A_241 : i32
        %add3A_433 = arith.constant 1 : i32
        %add3A_434 = arith.addi %mul3A_432, %add3A_433 : i32
        %swap3A_435 = arith.index_cast %add3A_434 : i32 to index
        %swap3A_436 = arith.constant 16 : index
        %swap3A_437 = tpu.vector_load %arg7[%swap3A_435, %swap3A_436] {strides = array<i32>} : memref<128x128xf32, #tpu.memory_space<vmem>>, vector<1x16xf32>,
        %swap3A_438 = vector.shape_cast %swap3A_437 : vector<1x16xf32> to vector<16xf32>
        %swap3A_439 = vector.shape_cast %mul3A_430 : vector<16xf32> to vector<1x16xf32>
        tpu.vector_store %arg7[%swap3A_435, %swap3A_436], %swap3A_439 {strides = array<i32>} : memref<128x128xf32, #tpu.memory_space<vmem>>, vector<1x16xf32>,
        %mul3A_440 = arith.constant 2 : i32
        %mul3A_441 = arith.muli %mul3A_440, %scan3A_241 : i32
        %add3A_442 = arith.constant 1 : i32
        %add3A_443 = arith.addi %mul3A_441, %add3A_442 : i32
        %get3A_444 = arith.index_cast %add3A_443 : i32 to index
        %get3A_445 = arith.constant 32 : index
        %get3A_446 = tpu.vector_load %arg7[%get3A_444, %get3A_445] {strides = array<i32>} : memref<128x128xf32, #tpu.memory_space<vmem>>, vector<1x16xf32>,
        %get3A_447 = vector.shape_cast %get3A_446 : vector<1x16xf32> to vector<16xf32>
        %mul3A_448 = arith.constant 11.3137083 : f32
        %mul3A_449 = vector.broadcast %mul3A_448 : f32 to vector<16xf32>
        %mul3A_450 = arith.mulf %get3A_447, %mul3A_449 : vector<16xf32>
        %mul3A_451 = arith.constant 2 : i32
        %mul3A_452 = arith.muli %mul3A_451, %scan3A_241 : i32
        %add3A_453 = arith.constant 1 : i32
        %add3A_454 = arith.addi %mul3A_452, %add3A_453 : i32
        %swap3A_455 = arith.index_cast %add3A_454 : i32 to index
        %swap3A_456 = arith.constant 32 : index
        %swap3A_457 = tpu.vector_load %arg7[%swap3A_455, %swap3A_456] {strides = array<i32>} : memref<128x128xf32, #tpu.memory_space<vmem>>, vector<1x16xf32>,
        %swap3A_458 = vector.shape_cast %swap3A_457 : vector<1x16xf32> to vector<16xf32>
        %swap3A_459 = vector.shape_cast %mul3A_450 : vector<16xf32> to vector<1x16xf32>
        tpu.vector_store %arg7[%swap3A_455, %swap3A_456], %swap3A_459 {strides = array<i32>} : memref<128x128xf32, #tpu.memory_space<vmem>>, vector<1x16xf32>,
        %mul3A_460 = arith.constant 2 : i32
        %mul3A_461 = arith.muli %mul3A_460, %scan3A_241 : i32
        %add3A_462 = arith.constant 1 : i32
        %add3A_463 = arith.addi %mul3A_461, %add3A_462 : i32
        %get3A_464 = arith.index_cast %add3A_463 : i32 to index
        %get3A_465 = arith.constant 48 : index
        %get3A_466 = tpu.vector_load %arg7[%get3A_464, %get3A_465] {strides = array<i32>} : memref<128x128xf32, #tpu.memory_space<vmem>>, vector<1x16xf32>,
        %get3A_467 = vector.shape_cast %get3A_466 : vector<1x16xf32> to vector<16xf32>
        %mul3A_468 = arith.constant 11.3137083 : f32
        %mul3A_469 = vector.broadcast %mul3A_468 : f32 to vector<16xf32>
        %mul3A_470 = arith.mulf %get3A_467, %mul3A_469 : vector<16xf32>
        %mul3A_471 = arith.constant 2 : i32
        %mul3A_472 = arith.muli %mul3A_471, %scan3A_241 : i32
        %add3A_473 = arith.constant 1 : i32
        %add3A_474 = arith.addi %mul3A_472, %add3A_473 : i32
        %swap3A_475 = arith.index_cast %add3A_474 : i32 to index
        %swap3A_476 = arith.constant 48 : index
        %swap3A_477 = tpu.vector_load %arg7[%swap3A_475, %swap3A_476] {strides = array<i32>} : memref<128x128xf32, #tpu.memory_space<vmem>>, vector<1x16xf32>,
        %swap3A_478 = vector.shape_cast %swap3A_477 : vector<1x16xf32> to vector<16xf32>
        %swap3A_479 = vector.shape_cast %mul3A_470 : vector<16xf32> to vector<1x16xf32>
        tpu.vector_store %arg7[%swap3A_475, %swap3A_476], %swap3A_479 {strides = array<i32>} : memref<128x128xf32, #tpu.memory_space<vmem>>, vector<1x16xf32>,
        %mul3A_480 = arith.constant 2 : i32
        %mul3A_481 = arith.muli %mul3A_480, %scan3A_241 : i32
        %add3A_482 = arith.constant 1 : i32
        %add3A_483 = arith.addi %mul3A_481, %add3A_482 : i32
        %get3A_484 = arith.index_cast %add3A_483 : i32 to index
        %get3A_485 = arith.constant 64 : index
        %get3A_486 = tpu.vector_load %arg7[%get3A_484, %get3A_485] {strides = array<i32>} : memref<128x128xf32, #tpu.memory_space<vmem>>, vector<1x16xf32>,
        %get3A_487 = vector.shape_cast %get3A_486 : vector<1x16xf32> to vector<16xf32>
        %mul3A_488 = arith.constant 11.3137083 : f32
        %mul3A_489 = vector.broadcast %mul3A_488 : f32 to vector<16xf32>
        %mul3A_490 = arith.mulf %get3A_487, %mul3A_489 : vector<16xf32>
        %mul3A_491 = arith.constant 2 : i32
        %mul3A_492 = arith.muli %mul3A_491, %scan3A_241 : i32
        %add3A_493 = arith.constant 1 : i32
        %add3A_494 = arith.addi %mul3A_492, %add3A_493 : i32
        %swap3A_495 = arith.index_cast %add3A_494 : i32 to index
        %swap3A_496 = arith.constant 64 : index
        %swap3A_497 = tpu.vector_load %arg7[%swap3A_495, %swap3A_496] {strides = array<i32>} : memref<128x128xf32, #tpu.memory_space<vmem>>, vector<1x16xf32>,
        %swap3A_498 = vector.shape_cast %swap3A_497 : vector<1x16xf32> to vector<16xf32>
        %swap3A_499 = vector.shape_cast %mul3A_490 : vector<16xf32> to vector<1x16xf32>
        tpu.vector_store %arg7[%swap3A_495, %swap3A_496], %swap3A_499 {strides = array<i32>} : memref<128x128xf32, #tpu.memory_space<vmem>>, vector<1x16xf32>,
        %mul3A_500 = arith.constant 2 : i32
        %mul3A_501 = arith.muli %mul3A_500, %scan3A_241 : i32
        %add3A_502 = arith.constant 1 : i32
        %add3A_503 = arith.addi %mul3A_501, %add3A_502 : i32
        %get3A_504 = arith.index_cast %add3A_503 : i32 to index
        %get3A_505 = arith.constant 80 : index
        %get3A_506 = tpu.vector_load %arg7[%get3A_504, %get3A_505] {strides = array<i32>} : memref<128x128xf32, #tpu.memory_space<vmem>>, vector<1x16xf32>,
        %get3A_507 = vector.shape_cast %get3A_506 : vector<1x16xf32> to vector<16xf32>
        %mul3A_508 = arith.constant 11.3137083 : f32
        %mul3A_509 = vector.broadcast %mul3A_508 : f32 to vector<16xf32>
        %mul3A_510 = arith.mulf %get3A_507, %mul3A_509 : vector<16xf32>
        %mul3A_511 = arith.constant 2 : i32
        %mul3A_512 = arith.muli %mul3A_511, %scan3A_241 : i32
        %add3A_513 = arith.constant 1 : i32
        %add3A_514 = arith.addi %mul3A_512, %add3A_513 : i32
        %swap3A_515 = arith.index_cast %add3A_514 : i32 to index
        %swap3A_516 = arith.constant 80 : index
        %swap3A_517 = tpu.vector_load %arg7[%swap3A_515, %swap3A_516] {strides = array<i32>} : memref<128x128xf32, #tpu.memory_space<vmem>>, vector<1x16xf32>,
        %swap3A_518 = vector.shape_cast %swap3A_517 : vector<1x16xf32> to vector<16xf32>
        %swap3A_519 = vector.shape_cast %mul3A_510 : vector<16xf32> to vector<1x16xf32>
        tpu.vector_store %arg7[%swap3A_515, %swap3A_516], %swap3A_519 {strides = array<i32>} : memref<128x128xf32, #tpu.memory_space<vmem>>, vector<1x16xf32>,
        %mul3A_520 = arith.constant 2 : i32
        %mul3A_521 = arith.muli %mul3A_520, %scan3A_241 : i32
        %add3A_522 = arith.constant 1 : i32
        %add3A_523 = arith.addi %mul3A_521, %add3A_522 : i32
        %get3A_524 = arith.index_cast %add3A_523 : i32 to index
        %get3A_525 = arith.constant 96 : index
        %get3A_526 = tpu.vector_load %arg7[%get3A_524, %get3A_525] {strides = array<i32>} : memref<128x128xf32, #tpu.memory_space<vmem>>, vector<1x16xf32>,
        %get3A_527 = vector.shape_cast %get3A_526 : vector<1x16xf32> to vector<16xf32>
        %mul3A_528 = arith.constant 11.3137083 : f32
        %mul3A_529 = vector.broadcast %mul3A_528 : f32 to vector<16xf32>
        %mul3A_530 = arith.mulf %get3A_527, %mul3A_529 : vector<16xf32>
        %mul3A_531 = arith.constant 2 : i32
        %mul3A_532 = arith.muli %mul3A_531, %scan3A_241 : i32
        %add3A_533 = arith.constant 1 : i32
        %add3A_534 = arith.addi %mul3A_532, %add3A_533 : i32
        %swap3A_535 = arith.index_cast %add3A_534 : i32 to index
        %swap3A_536 = arith.constant 96 : index
        %swap3A_537 = tpu.vector_load %arg7[%swap3A_535, %swap3A_536] {strides = array<i32>} : memref<128x128xf32, #tpu.memory_space<vmem>>, vector<1x16xf32>,
        %swap3A_538 = vector.shape_cast %swap3A_537 : vector<1x16xf32> to vector<16xf32>
        %swap3A_539 = vector.shape_cast %mul3A_530 : vector<16xf32> to vector<1x16xf32>
        tpu.vector_store %arg7[%swap3A_535, %swap3A_536], %swap3A_539 {strides = array<i32>} : memref<128x128xf32, #tpu.memory_space<vmem>>, vector<1x16xf32>,
        %mul3A_540 = arith.constant 2 : i32
        %mul3A_541 = arith.muli %mul3A_540, %scan3A_241 : i32
        %add3A_542 = arith.constant 1 : i32
        %add3A_543 = arith.addi %mul3A_541, %add3A_542 : i32
        %get3A_544 = arith.index_cast %add3A_543 : i32 to index
        %get3A_545 = arith.constant 112 : index
        %get3A_546 = tpu.vector_load %arg7[%get3A_544, %get3A_545] {strides = array<i32>} : memref<128x128xf32, #tpu.memory_space<vmem>>, vector<1x16xf32>,
        %get3A_547 = vector.shape_cast %get3A_546 : vector<1x16xf32> to vector<16xf32>
        %mul3A_548 = arith.constant 11.3137083 : f32
        %mul3A_549 = vector.broadcast %mul3A_548 : f32 to vector<16xf32>
        %mul3A_550 = arith.mulf %get3A_547, %mul3A_549 : vector<16xf32>
        %mul3A_551 = arith.constant 2 : i32
        %mul3A_552 = arith.muli %mul3A_551, %scan3A_241 : i32
        %add3A_553 = arith.constant 1 : i32
        %add3A_554 = arith.addi %mul3A_552, %add3A_553 : i32
        %swap3A_555 = arith.index_cast %add3A_554 : i32 to index
        %swap3A_556 = arith.constant 112 : index
        %swap3A_557 = tpu.vector_load %arg7[%swap3A_555, %swap3A_556] {strides = array<i32>} : memref<128x128xf32, #tpu.memory_space<vmem>>, vector<1x16xf32>,
        %swap3A_558 = vector.shape_cast %swap3A_557 : vector<1x16xf32> to vector<16xf32>
        %swap3A_559 = vector.shape_cast %mul3A_550 : vector<16xf32> to vector<1x16xf32>
        tpu.vector_store %arg7[%swap3A_555, %swap3A_556], %swap3A_559 {strides = array<i32>} : memref<128x128xf32, #tpu.memory_space<vmem>>, vector<1x16xf32>,
      }
      %scan3A_139 = arith.constant 64 : i32
      %add3A_140 = arith.constant 1 : i32
      %add3A_141 = arith.addi %mul3A_88, %add3A_140 : i32
      %mul3A_142 = arith.constant 128 : i32
      %mul3A_143 = arith.muli %add3A_141, %mul3A_142 : i32
      %add3A_144 = arith.addi %mul3A_2, %mul3A_143 : i32
      %dma_start3A_145 = arith.constant 0 : i32
      %dma_start3A_146 = tpu.memref_slice %arg4[%add3A_144, %dma_start3A_145] : memref<819200x128xf32, #tpu.memory_space<hbm>> -> memref<128x128xf32, #tpu.memory_space<hbm>>
      %dma_start3A_147 = arith.constant 0 : i32
      %dma_start3A_148 = tpu.memref_slice %arg4[%add3A_144, %dma_start3A_147] : memref<819200x128xf32, #tpu.memory_space<hbm>> -> memref<128x128xf32, #tpu.memory_space<hbm>>
      tpu.enqueue_dma source(%arg7 : memref<128x128xf32, #tpu.memory_space<vmem>>) target(%dma_start3A_148 : memref<128x128xf32, #tpu.memory_space<hbm>>) target_semaphore(%arg17 : memref<!tpu.dma_semaphore, #tpu.memory_space<semaphore_mem>>)
      %add3A_149 = arith.constant 2 : i32
      %add3A_150 = arith.addi %mul3A_88, %add3A_149 : i32
      %mul3A_151 = arith.constant 1 : i32
      %mul3A_152 = arith.muli %mul3A_151, %add3A_150 : i32
      %add3A_153 = arith.constant 0 : i32
      %add3A_154 = arith.addi %mul3A_152, %add3A_153 : i32
      %dma_wait3A_155 = arith.constant 0 : i32
      %dma_wait3A_156 = arith.constant 0 : i32
      %dma_wait3A_157 = tpu.memref_slice %arg8[%dma_wait3A_155, %dma_wait3A_156] : memref<128x128xf32, #tpu.memory_space<vmem>> -> memref<128x128xf32, #tpu.memory_space<vmem>>
      %dma_wait3A_158 = arith.constant 0 : i32
      %dma_wait3A_159 = tpu.memref_slice %arg5[%add3A_154, %dma_wait3A_158] : memref<200x128xi32, #tpu.memory_space<vmem>> -> memref<1x128xi32, #tpu.memory_space<vmem>>
      %dma_wait3A_160 = tpu.memref_squeeze %dma_wait3A_159 : memref<1x128xi32, #tpu.memory_space<vmem>> -> memref<128xi32, #tpu.memory_space<vmem>>
      %dma_wait3A_161 = arith.constant 0 : i32
      %dma_wait3A_162 = arith.constant 0 : i32
      %dma_wait3A_163 = tpu.memref_slice %arg2[%dma_wait3A_161, %dma_wait3A_162] : memref<100000x128xf32, #tpu.memory_space<hbm>> -> memref<100000x128xf32, #tpu.memory_space<hbm>>
      tpu.wait_indirect_dma semaphore(%arg13 : memref<!tpu.dma_semaphore, #tpu.memory_space<semaphore_mem>>) src(%dma_wait3A_163 : memref<100000x128xf32, #tpu.memory_space<hbm>>) dst(%dma_wait3A_157 : memref<128x128xf32, #tpu.memory_space<vmem>>)
      %scan3A_164 = arith.constant 0 : i32
      %scan3A_165 = arith.constant 0 : i32
      %scan3A_166 = arith.constant 64 : i32
      %scan3A_167 = arith.addi %scan3A_165, %scan3A_166 : i32
      %scan3A_168 = arith.constant 1 : i32
      scf.for %scan3A_241 = %scan3A_165 to %scan3A_167 step %scan3A_168  : i32 {
        %mul3A_242 = arith.constant 2 : i32
        %mul3A_243 = arith.muli %mul3A_242, %scan3A_241 : i32
        %add3A_244 = arith.constant 0 : i32
        %add3A_245 = arith.addi %mul3A_243, %add3A_244 : i32
        %get3A = arith.index_cast %add3A_245 : i32 to index
        %get3A_246 = arith.constant 0 : index
        %get3A_247 = tpu.vector_load %arg8[%get3A, %get3A_246] {strides = array<i32>} : memref<128x128xf32, #tpu.memory_space<vmem>>, vector<1x16xf32>,
        %get3A_248 = vector.shape_cast %get3A_247 : vector<1x16xf32> to vector<16xf32>
        %mul3A_249 = arith.constant 11.3137083 : f32
        %mul3A_250 = vector.broadcast %mul3A_249 : f32 to vector<16xf32>
        %mul3A_251 = arith.mulf %get3A_248, %mul3A_250 : vector<16xf32>
        %mul3A_252 = arith.constant 2 : i32
        %mul3A_253 = arith.muli %mul3A_252, %scan3A_241 : i32
        %add3A_254 = arith.constant 0 : i32
        %add3A_255 = arith.addi %mul3A_253, %add3A_254 : i32
        %swap3A = arith.index_cast %add3A_255 : i32 to index
        %swap3A_256 = arith.constant 0 : index
        %swap3A_257 = tpu.vector_load %arg8[%swap3A, %swap3A_256] {strides = array<i32>} : memref<128x128xf32, #tpu.memory_space<vmem>>, vector<1x16xf32>,
        %swap3A_258 = vector.shape_cast %swap3A_257 : vector<1x16xf32> to vector<16xf32>
        %swap3A_259 = vector.shape_cast %mul3A_251 : vector<16xf32> to vector<1x16xf32>
        tpu.vector_store %arg8[%swap3A, %swap3A_256], %swap3A_259 {strides = array<i32>} : memref<128x128xf32, #tpu.memory_space<vmem>>, vector<1x16xf32>,
        %mul3A_260 = arith.constant 2 : i32
        %mul3A_261 = arith.muli %mul3A_260, %scan3A_241 : i32
        %add3A_262 = arith.constant 0 : i32
        %add3A_263 = arith.addi %mul3A_261, %add3A_262 : i32
        %get3A_264 = arith.index_cast %add3A_263 : i32 to index
        %get3A_265 = arith.constant 16 : index
        %get3A_266 = tpu.vector_load %arg8[%get3A_264, %get3A_265] {strides = array<i32>} : memref<128x128xf32, #tpu.memory_space<vmem>>, vector<1x16xf32>,
        %get3A_267 = vector.shape_cast %get3A_266 : vector<1x16xf32> to vector<16xf32>
        %mul3A_268 = arith.constant 11.3137083 : f32
        %mul3A_269 = vector.broadcast %mul3A_268 : f32 to vector<16xf32>
        %mul3A_270 = arith.mulf %get3A_267, %mul3A_269 : vector<16xf32>
        %mul3A_271 = arith.constant 2 : i32
        %mul3A_272 = arith.muli %mul3A_271, %scan3A_241 : i32
        %add3A_273 = arith.constant 0 : i32
        %add3A_274 = arith.addi %mul3A_272, %add3A_273 : i32
        %swap3A_275 = arith.index_cast %add3A_274 : i32 to index
        %swap3A_276 = arith.constant 16 : index
        %swap3A_277 = tpu.vector_load %arg8[%swap3A_275, %swap3A_276] {strides = array<i32>} : memref<128x128xf32, #tpu.memory_space<vmem>>, vector<1x16xf32>,
        %swap3A_278 = vector.shape_cast %swap3A_277 : vector<1x16xf32> to vector<16xf32>
        %swap3A_279 = vector.shape_cast %mul3A_270 : vector<16xf32> to vector<1x16xf32>
        tpu.vector_store %arg8[%swap3A_275, %swap3A_276], %swap3A_279 {strides = array<i32>} : memref<128x128xf32, #tpu.memory_space<vmem>>, vector<1x16xf32>,
        %mul3A_280 = arith.constant 2 : i32
        %mul3A_281 = arith.muli %mul3A_280, %scan3A_241 : i32
        %add3A_282 = arith.constant 0 : i32
        %add3A_283 = arith.addi %mul3A_281, %add3A_282 : i32
        %get3A_284 = arith.index_cast %add3A_283 : i32 to index
        %get3A_285 = arith.constant 32 : index
        %get3A_286 = tpu.vector_load %arg8[%get3A_284, %get3A_285] {strides = array<i32>} : memref<128x128xf32, #tpu.memory_space<vmem>>, vector<1x16xf32>,
        %get3A_287 = vector.shape_cast %get3A_286 : vector<1x16xf32> to vector<16xf32>
        %mul3A_288 = arith.constant 11.3137083 : f32
        %mul3A_289 = vector.broadcast %mul3A_288 : f32 to vector<16xf32>
        %mul3A_290 = arith.mulf %get3A_287, %mul3A_289 : vector<16xf32>
        %mul3A_291 = arith.constant 2 : i32
        %mul3A_292 = arith.muli %mul3A_291, %scan3A_241 : i32
        %add3A_293 = arith.constant 0 : i32
        %add3A_294 = arith.addi %mul3A_292, %add3A_293 : i32
        %swap3A_295 = arith.index_cast %add3A_294 : i32 to index
        %swap3A_296 = arith.constant 32 : index
        %swap3A_297 = tpu.vector_load %arg8[%swap3A_295, %swap3A_296] {strides = array<i32>} : memref<128x128xf32, #tpu.memory_space<vmem>>, vector<1x16xf32>,
        %swap3A_298 = vector.shape_cast %swap3A_297 : vector<1x16xf32> to vector<16xf32>
        %swap3A_299 = vector.shape_cast %mul3A_290 : vector<16xf32> to vector<1x16xf32>
        tpu.vector_store %arg8[%swap3A_295, %swap3A_296], %swap3A_299 {strides = array<i32>} : memref<128x128xf32, #tpu.memory_space<vmem>>, vector<1x16xf32>,
        %mul3A_300 = arith.constant 2 : i32
        %mul3A_301 = arith.muli %mul3A_300, %scan3A_241 : i32
        %add3A_302 = arith.constant 0 : i32
        %add3A_303 = arith.addi %mul3A_301, %add3A_302 : i32
        %get3A_304 = arith.index_cast %add3A_303 : i32 to index
        %get3A_305 = arith.constant 48 : index
        %get3A_306 = tpu.vector_load %arg8[%get3A_304, %get3A_305] {strides = array<i32>} : memref<128x128xf32, #tpu.memory_space<vmem>>, vector<1x16xf32>,
        %get3A_307 = vector.shape_cast %get3A_306 : vector<1x16xf32> to vector<16xf32>
        %mul3A_308 = arith.constant 11.3137083 : f32
        %mul3A_309 = vector.broadcast %mul3A_308 : f32 to vector<16xf32>
        %mul3A_310 = arith.mulf %get3A_307, %mul3A_309 : vector<16xf32>
        %mul3A_311 = arith.constant 2 : i32
        %mul3A_312 = arith.muli %mul3A_311, %scan3A_241 : i32
        %add3A_313 = arith.constant 0 : i32
        %add3A_314 = arith.addi %mul3A_312, %add3A_313 : i32
        %swap3A_315 = arith.index_cast %add3A_314 : i32 to index
        %swap3A_316 = arith.constant 48 : index
        %swap3A_317 = tpu.vector_load %arg8[%swap3A_315, %swap3A_316] {strides = array<i32>} : memref<128x128xf32, #tpu.memory_space<vmem>>, vector<1x16xf32>,
        %swap3A_318 = vector.shape_cast %swap3A_317 : vector<1x16xf32> to vector<16xf32>
        %swap3A_319 = vector.shape_cast %mul3A_310 : vector<16xf32> to vector<1x16xf32>
        tpu.vector_store %arg8[%swap3A_315, %swap3A_316], %swap3A_319 {strides = array<i32>} : memref<128x128xf32, #tpu.memory_space<vmem>>, vector<1x16xf32>,
        %mul3A_320 = arith.constant 2 : i32
        %mul3A_321 = arith.muli %mul3A_320, %scan3A_241 : i32
        %add3A_322 = arith.constant 0 : i32
        %add3A_323 = arith.addi %mul3A_321, %add3A_322 : i32
        %get3A_324 = arith.index_cast %add3A_323 : i32 to index
        %get3A_325 = arith.constant 64 : index
        %get3A_326 = tpu.vector_load %arg8[%get3A_324, %get3A_325] {strides = array<i32>} : memref<128x128xf32, #tpu.memory_space<vmem>>, vector<1x16xf32>,
        %get3A_327 = vector.shape_cast %get3A_326 : vector<1x16xf32> to vector<16xf32>
        %mul3A_328 = arith.constant 11.3137083 : f32
        %mul3A_329 = vector.broadcast %mul3A_328 : f32 to vector<16xf32>
        %mul3A_330 = arith.mulf %get3A_327, %mul3A_329 : vector<16xf32>
        %mul3A_331 = arith.constant 2 : i32
        %mul3A_332 = arith.muli %mul3A_331, %scan3A_241 : i32
        %add3A_333 = arith.constant 0 : i32
        %add3A_334 = arith.addi %mul3A_332, %add3A_333 : i32
        %swap3A_335 = arith.index_cast %add3A_334 : i32 to index
        %swap3A_336 = arith.constant 64 : index
        %swap3A_337 = tpu.vector_load %arg8[%swap3A_335, %swap3A_336] {strides = array<i32>} : memref<128x128xf32, #tpu.memory_space<vmem>>, vector<1x16xf32>,
        %swap3A_338 = vector.shape_cast %swap3A_337 : vector<1x16xf32> to vector<16xf32>
        %swap3A_339 = vector.shape_cast %mul3A_330 : vector<16xf32> to vector<1x16xf32>
        tpu.vector_store %arg8[%swap3A_335, %swap3A_336], %swap3A_339 {strides = array<i32>} : memref<128x128xf32, #tpu.memory_space<vmem>>, vector<1x16xf32>,
        %mul3A_340 = arith.constant 2 : i32
        %mul3A_341 = arith.muli %mul3A_340, %scan3A_241 : i32
        %add3A_342 = arith.constant 0 : i32
        %add3A_343 = arith.addi %mul3A_341, %add3A_342 : i32
        %get3A_344 = arith.index_cast %add3A_343 : i32 to index
        %get3A_345 = arith.constant 80 : index
        %get3A_346 = tpu.vector_load %arg8[%get3A_344, %get3A_345] {strides = array<i32>} : memref<128x128xf32, #tpu.memory_space<vmem>>, vector<1x16xf32>,
        %get3A_347 = vector.shape_cast %get3A_346 : vector<1x16xf32> to vector<16xf32>
        %mul3A_348 = arith.constant 11.3137083 : f32
        %mul3A_349 = vector.broadcast %mul3A_348 : f32 to vector<16xf32>
        %mul3A_350 = arith.mulf %get3A_347, %mul3A_349 : vector<16xf32>
        %mul3A_351 = arith.constant 2 : i32
        %mul3A_352 = arith.muli %mul3A_351, %scan3A_241 : i32
        %add3A_353 = arith.constant 0 : i32
        %add3A_354 = arith.addi %mul3A_352, %add3A_353 : i32
        %swap3A_355 = arith.index_cast %add3A_354 : i32 to index
        %swap3A_356 = arith.constant 80 : index
        %swap3A_357 = tpu.vector_load %arg8[%swap3A_355, %swap3A_356] {strides = array<i32>} : memref<128x128xf32, #tpu.memory_space<vmem>>, vector<1x16xf32>,
        %swap3A_358 = vector.shape_cast %swap3A_357 : vector<1x16xf32> to vector<16xf32>
        %swap3A_359 = vector.shape_cast %mul3A_350 : vector<16xf32> to vector<1x16xf32>
        tpu.vector_store %arg8[%swap3A_355, %swap3A_356], %swap3A_359 {strides = array<i32>} : memref<128x128xf32, #tpu.memory_space<vmem>>, vector<1x16xf32>,
        %mul3A_360 = arith.constant 2 : i32
        %mul3A_361 = arith.muli %mul3A_360, %scan3A_241 : i32
        %add3A_362 = arith.constant 0 : i32
        %add3A_363 = arith.addi %mul3A_361, %add3A_362 : i32
        %get3A_364 = arith.index_cast %add3A_363 : i32 to index
        %get3A_365 = arith.constant 96 : index
        %get3A_366 = tpu.vector_load %arg8[%get3A_364, %get3A_365] {strides = array<i32>} : memref<128x128xf32, #tpu.memory_space<vmem>>, vector<1x16xf32>,
        %get3A_367 = vector.shape_cast %get3A_366 : vector<1x16xf32> to vector<16xf32>
        %mul3A_368 = arith.constant 11.3137083 : f32
        %mul3A_369 = vector.broadcast %mul3A_368 : f32 to vector<16xf32>
        %mul3A_370 = arith.mulf %get3A_367, %mul3A_369 : vector<16xf32>
        %mul3A_371 = arith.constant 2 : i32
        %mul3A_372 = arith.muli %mul3A_371, %scan3A_241 : i32
        %add3A_373 = arith.constant 0 : i32
        %add3A_374 = arith.addi %mul3A_372, %add3A_373 : i32
        %swap3A_375 = arith.index_cast %add3A_374 : i32 to index
        %swap3A_376 = arith.constant 96 : index
        %swap3A_377 = tpu.vector_load %arg8[%swap3A_375, %swap3A_376] {strides = array<i32>} : memref<128x128xf32, #tpu.memory_space<vmem>>, vector<1x16xf32>,
        %swap3A_378 = vector.shape_cast %swap3A_377 : vector<1x16xf32> to vector<16xf32>
        %swap3A_379 = vector.shape_cast %mul3A_370 : vector<16xf32> to vector<1x16xf32>
        tpu.vector_store %arg8[%swap3A_375, %swap3A_376], %swap3A_379 {strides = array<i32>} : memref<128x128xf32, #tpu.memory_space<vmem>>, vector<1x16xf32>,
        %mul3A_380 = arith.constant 2 : i32
        %mul3A_381 = arith.muli %mul3A_380, %scan3A_241 : i32
        %add3A_382 = arith.constant 0 : i32
        %add3A_383 = arith.addi %mul3A_381, %add3A_382 : i32
        %get3A_384 = arith.index_cast %add3A_383 : i32 to index
        %get3A_385 = arith.constant 112 : index
        %get3A_386 = tpu.vector_load %arg8[%get3A_384, %get3A_385] {strides = array<i32>} : memref<128x128xf32, #tpu.memory_space<vmem>>, vector<1x16xf32>,
        %get3A_387 = vector.shape_cast %get3A_386 : vector<1x16xf32> to vector<16xf32>
        %mul3A_388 = arith.constant 11.3137083 : f32
        %mul3A_389 = vector.broadcast %mul3A_388 : f32 to vector<16xf32>
        %mul3A_390 = arith.mulf %get3A_387, %mul3A_389 : vector<16xf32>
        %mul3A_391 = arith.constant 2 : i32
        %mul3A_392 = arith.muli %mul3A_391, %scan3A_241 : i32
        %add3A_393 = arith.constant 0 : i32
        %add3A_394 = arith.addi %mul3A_392, %add3A_393 : i32
        %swap3A_395 = arith.index_cast %add3A_394 : i32 to index
        %swap3A_396 = arith.constant 112 : index
        %swap3A_397 = tpu.vector_load %arg8[%swap3A_395, %swap3A_396] {strides = array<i32>} : memref<128x128xf32, #tpu.memory_space<vmem>>, vector<1x16xf32>,
        %swap3A_398 = vector.shape_cast %swap3A_397 : vector<1x16xf32> to vector<16xf32>
        %swap3A_399 = vector.shape_cast %mul3A_390 : vector<16xf32> to vector<1x16xf32>
        tpu.vector_store %arg8[%swap3A_395, %swap3A_396], %swap3A_399 {strides = array<i32>} : memref<128x128xf32, #tpu.memory_space<vmem>>, vector<1x16xf32>,
        %mul3A_400 = arith.constant 2 : i32
        %mul3A_401 = arith.muli %mul3A_400, %scan3A_241 : i32
        %add3A_402 = arith.constant 1 : i32
        %add3A_403 = arith.addi %mul3A_401, %add3A_402 : i32
        %get3A_404 = arith.index_cast %add3A_403 : i32 to index
        %get3A_405 = arith.constant 0 : index
        %get3A_406 = tpu.vector_load %arg8[%get3A_404, %get3A_405] {strides = array<i32>} : memref<128x128xf32, #tpu.memory_space<vmem>>, vector<1x16xf32>,
        %get3A_407 = vector.shape_cast %get3A_406 : vector<1x16xf32> to vector<16xf32>
        %mul3A_408 = arith.constant 11.3137083 : f32
        %mul3A_409 = vector.broadcast %mul3A_408 : f32 to vector<16xf32>
        %mul3A_410 = arith.mulf %get3A_407, %mul3A_409 : vector<16xf32>
        %mul3A_411 = arith.constant 2 : i32
        %mul3A_412 = arith.muli %mul3A_411, %scan3A_241 : i32
        %add3A_413 = arith.constant 1 : i32
        %add3A_414 = arith.addi %mul3A_412, %add3A_413 : i32
        %swap3A_415 = arith.index_cast %add3A_414 : i32 to index
        %swap3A_416 = arith.constant 0 : index
        %swap3A_417 = tpu.vector_load %arg8[%swap3A_415, %swap3A_416] {strides = array<i32>} : memref<128x128xf32, #tpu.memory_space<vmem>>, vector<1x16xf32>,
        %swap3A_418 = vector.shape_cast %swap3A_417 : vector<1x16xf32> to vector<16xf32>
        %swap3A_419 = vector.shape_cast %mul3A_410 : vector<16xf32> to vector<1x16xf32>
        tpu.vector_store %arg8[%swap3A_415, %swap3A_416], %swap3A_419 {strides = array<i32>} : memref<128x128xf32, #tpu.memory_space<vmem>>, vector<1x16xf32>,
        %mul3A_420 = arith.constant 2 : i32
        %mul3A_421 = arith.muli %mul3A_420, %scan3A_241 : i32
        %add3A_422 = arith.constant 1 : i32
        %add3A_423 = arith.addi %mul3A_421, %add3A_422 : i32
        %get3A_424 = arith.index_cast %add3A_423 : i32 to index
        %get3A_425 = arith.constant 16 : index
        %get3A_426 = tpu.vector_load %arg8[%get3A_424, %get3A_425] {strides = array<i32>} : memref<128x128xf32, #tpu.memory_space<vmem>>, vector<1x16xf32>,
        %get3A_427 = vector.shape_cast %get3A_426 : vector<1x16xf32> to vector<16xf32>
        %mul3A_428 = arith.constant 11.3137083 : f32
        %mul3A_429 = vector.broadcast %mul3A_428 : f32 to vector<16xf32>
        %mul3A_430 = arith.mulf %get3A_427, %mul3A_429 : vector<16xf32>
        %mul3A_431 = arith.constant 2 : i32
        %mul3A_432 = arith.muli %mul3A_431, %scan3A_241 : i32
        %add3A_433 = arith.constant 1 : i32
        %add3A_434 = arith.addi %mul3A_432, %add3A_433 : i32
        %swap3A_435 = arith.index_cast %add3A_434 : i32 to index
        %swap3A_436 = arith.constant 16 : index
        %swap3A_437 = tpu.vector_load %arg8[%swap3A_435, %swap3A_436] {strides = array<i32>} : memref<128x128xf32, #tpu.memory_space<vmem>>, vector<1x16xf32>,
        %swap3A_438 = vector.shape_cast %swap3A_437 : vector<1x16xf32> to vector<16xf32>
        %swap3A_439 = vector.shape_cast %mul3A_430 : vector<16xf32> to vector<1x16xf32>
        tpu.vector_store %arg8[%swap3A_435, %swap3A_436], %swap3A_439 {strides = array<i32>} : memref<128x128xf32, #tpu.memory_space<vmem>>, vector<1x16xf32>,
        %mul3A_440 = arith.constant 2 : i32
        %mul3A_441 = arith.muli %mul3A_440, %scan3A_241 : i32
        %add3A_442 = arith.constant 1 : i32
        %add3A_443 = arith.addi %mul3A_441, %add3A_442 : i32
        %get3A_444 = arith.index_cast %add3A_443 : i32 to index
        %get3A_445 = arith.constant 32 : index
        %get3A_446 = tpu.vector_load %arg8[%get3A_444, %get3A_445] {strides = array<i32>} : memref<128x128xf32, #tpu.memory_space<vmem>>, vector<1x16xf32>,
        %get3A_447 = vector.shape_cast %get3A_446 : vector<1x16xf32> to vector<16xf32>
        %mul3A_448 = arith.constant 11.3137083 : f32
        %mul3A_449 = vector.broadcast %mul3A_448 : f32 to vector<16xf32>
        %mul3A_450 = arith.mulf %get3A_447, %mul3A_449 : vector<16xf32>
        %mul3A_451 = arith.constant 2 : i32
        %mul3A_452 = arith.muli %mul3A_451, %scan3A_241 : i32
        %add3A_453 = arith.constant 1 : i32
        %add3A_454 = arith.addi %mul3A_452, %add3A_453 : i32
        %swap3A_455 = arith.index_cast %add3A_454 : i32 to index
        %swap3A_456 = arith.constant 32 : index
        %swap3A_457 = tpu.vector_load %arg8[%swap3A_455, %swap3A_456] {strides = array<i32>} : memref<128x128xf32, #tpu.memory_space<vmem>>, vector<1x16xf32>,
        %swap3A_458 = vector.shape_cast %swap3A_457 : vector<1x16xf32> to vector<16xf32>
        %swap3A_459 = vector.shape_cast %mul3A_450 : vector<16xf32> to vector<1x16xf32>
        tpu.vector_store %arg8[%swap3A_455, %swap3A_456], %swap3A_459 {strides = array<i32>} : memref<128x128xf32, #tpu.memory_space<vmem>>, vector<1x16xf32>,
        %mul3A_460 = arith.constant 2 : i32
        %mul3A_461 = arith.muli %mul3A_460, %scan3A_241 : i32
        %add3A_462 = arith.constant 1 : i32
        %add3A_463 = arith.addi %mul3A_461, %add3A_462 : i32
        %get3A_464 = arith.index_cast %add3A_463 : i32 to index
        %get3A_465 = arith.constant 48 : index
        %get3A_466 = tpu.vector_load %arg8[%get3A_464, %get3A_465] {strides = array<i32>} : memref<128x128xf32, #tpu.memory_space<vmem>>, vector<1x16xf32>,
        %get3A_467 = vector.shape_cast %get3A_466 : vector<1x16xf32> to vector<16xf32>
        %mul3A_468 = arith.constant 11.3137083 : f32
        %mul3A_469 = vector.broadcast %mul3A_468 : f32 to vector<16xf32>
        %mul3A_470 = arith.mulf %get3A_467, %mul3A_469 : vector<16xf32>
        %mul3A_471 = arith.constant 2 : i32
        %mul3A_472 = arith.muli %mul3A_471, %scan3A_241 : i32
        %add3A_473 = arith.constant 1 : i32
        %add3A_474 = arith.addi %mul3A_472, %add3A_473 : i32
        %swap3A_475 = arith.index_cast %add3A_474 : i32 to index
        %swap3A_476 = arith.constant 48 : index
        %swap3A_477 = tpu.vector_load %arg8[%swap3A_475, %swap3A_476] {strides = array<i32>} : memref<128x128xf32, #tpu.memory_space<vmem>>, vector<1x16xf32>,
        %swap3A_478 = vector.shape_cast %swap3A_477 : vector<1x16xf32> to vector<16xf32>
        %swap3A_479 = vector.shape_cast %mul3A_470 : vector<16xf32> to vector<1x16xf32>
        tpu.vector_store %arg8[%swap3A_475, %swap3A_476], %swap3A_479 {strides = array<i32>} : memref<128x128xf32, #tpu.memory_space<vmem>>, vector<1x16xf32>,
        %mul3A_480 = arith.constant 2 : i32
        %mul3A_481 = arith.muli %mul3A_480, %scan3A_241 : i32
        %add3A_482 = arith.constant 1 : i32
        %add3A_483 = arith.addi %mul3A_481, %add3A_482 : i32
        %get3A_484 = arith.index_cast %add3A_483 : i32 to index
        %get3A_485 = arith.constant 64 : index
        %get3A_486 = tpu.vector_load %arg8[%get3A_484, %get3A_485] {strides = array<i32>} : memref<128x128xf32, #tpu.memory_space<vmem>>, vector<1x16xf32>,
        %get3A_487 = vector.shape_cast %get3A_486 : vector<1x16xf32> to vector<16xf32>
        %mul3A_488 = arith.constant 11.3137083 : f32
        %mul3A_489 = vector.broadcast %mul3A_488 : f32 to vector<16xf32>
        %mul3A_490 = arith.mulf %get3A_487, %mul3A_489 : vector<16xf32>
        %mul3A_491 = arith.constant 2 : i32
        %mul3A_492 = arith.muli %mul3A_491, %scan3A_241 : i32
        %add3A_493 = arith.constant 1 : i32
        %add3A_494 = arith.addi %mul3A_492, %add3A_493 : i32
        %swap3A_495 = arith.index_cast %add3A_494 : i32 to index
        %swap3A_496 = arith.constant 64 : index
        %swap3A_497 = tpu.vector_load %arg8[%swap3A_495, %swap3A_496] {strides = array<i32>} : memref<128x128xf32, #tpu.memory_space<vmem>>, vector<1x16xf32>,
        %swap3A_498 = vector.shape_cast %swap3A_497 : vector<1x16xf32> to vector<16xf32>
        %swap3A_499 = vector.shape_cast %mul3A_490 : vector<16xf32> to vector<1x16xf32>
        tpu.vector_store %arg8[%swap3A_495, %swap3A_496], %swap3A_499 {strides = array<i32>} : memref<128x128xf32, #tpu.memory_space<vmem>>, vector<1x16xf32>,
        %mul3A_500 = arith.constant 2 : i32
        %mul3A_501 = arith.muli %mul3A_500, %scan3A_241 : i32
        %add3A_502 = arith.constant 1 : i32
        %add3A_503 = arith.addi %mul3A_501, %add3A_502 : i32
        %get3A_504 = arith.index_cast %add3A_503 : i32 to index
        %get3A_505 = arith.constant 80 : index
        %get3A_506 = tpu.vector_load %arg8[%get3A_504, %get3A_505] {strides = array<i32>} : memref<128x128xf32, #tpu.memory_space<vmem>>, vector<1x16xf32>,
        %get3A_507 = vector.shape_cast %get3A_506 : vector<1x16xf32> to vector<16xf32>
        %mul3A_508 = arith.constant 11.3137083 : f32
        %mul3A_509 = vector.broadcast %mul3A_508 : f32 to vector<16xf32>
        %mul3A_510 = arith.mulf %get3A_507, %mul3A_509 : vector<16xf32>
        %mul3A_511 = arith.constant 2 : i32
        %mul3A_512 = arith.muli %mul3A_511, %scan3A_241 : i32
        %add3A_513 = arith.constant 1 : i32
        %add3A_514 = arith.addi %mul3A_512, %add3A_513 : i32
        %swap3A_515 = arith.index_cast %add3A_514 : i32 to index
        %swap3A_516 = arith.constant 80 : index
        %swap3A_517 = tpu.vector_load %arg8[%swap3A_515, %swap3A_516] {strides = array<i32>} : memref<128x128xf32, #tpu.memory_space<vmem>>, vector<1x16xf32>,
        %swap3A_518 = vector.shape_cast %swap3A_517 : vector<1x16xf32> to vector<16xf32>
        %swap3A_519 = vector.shape_cast %mul3A_510 : vector<16xf32> to vector<1x16xf32>
        tpu.vector_store %arg8[%swap3A_515, %swap3A_516], %swap3A_519 {strides = array<i32>} : memref<128x128xf32, #tpu.memory_space<vmem>>, vector<1x16xf32>,
        %mul3A_520 = arith.constant 2 : i32
        %mul3A_521 = arith.muli %mul3A_520, %scan3A_241 : i32
        %add3A_522 = arith.constant 1 : i32
        %add3A_523 = arith.addi %mul3A_521, %add3A_522 : i32
        %get3A_524 = arith.index_cast %add3A_523 : i32 to index
        %get3A_525 = arith.constant 96 : index
        %get3A_526 = tpu.vector_load %arg8[%get3A_524, %get3A_525] {strides = array<i32>} : memref<128x128xf32, #tpu.memory_space<vmem>>, vector<1x16xf32>,
        %get3A_527 = vector.shape_cast %get3A_526 : vector<1x16xf32> to vector<16xf32>
        %mul3A_528 = arith.constant 11.3137083 : f32
        %mul3A_529 = vector.broadcast %mul3A_528 : f32 to vector<16xf32>
        %mul3A_530 = arith.mulf %get3A_527, %mul3A_529 : vector<16xf32>
        %mul3A_531 = arith.constant 2 : i32
        %mul3A_532 = arith.muli %mul3A_531, %scan3A_241 : i32
        %add3A_533 = arith.constant 1 : i32
        %add3A_534 = arith.addi %mul3A_532, %add3A_533 : i32
        %swap3A_535 = arith.index_cast %add3A_534 : i32 to index
        %swap3A_536 = arith.constant 96 : index
        %swap3A_537 = tpu.vector_load %arg8[%swap3A_535, %swap3A_536] {strides = array<i32>} : memref<128x128xf32, #tpu.memory_space<vmem>>, vector<1x16xf32>,
        %swap3A_538 = vector.shape_cast %swap3A_537 : vector<1x16xf32> to vector<16xf32>
        %swap3A_539 = vector.shape_cast %mul3A_530 : vector<16xf32> to vector<1x16xf32>
        tpu.vector_store %arg8[%swap3A_535, %swap3A_536], %swap3A_539 {strides = array<i32>} : memref<128x128xf32, #tpu.memory_space<vmem>>, vector<1x16xf32>,
        %mul3A_540 = arith.constant 2 : i32
        %mul3A_541 = arith.muli %mul3A_540, %scan3A_241 : i32
        %add3A_542 = arith.constant 1 : i32
        %add3A_543 = arith.addi %mul3A_541, %add3A_542 : i32
        %get3A_544 = arith.index_cast %add3A_543 : i32 to index
        %get3A_545 = arith.constant 112 : index
        %get3A_546 = tpu.vector_load %arg8[%get3A_544, %get3A_545] {strides = array<i32>} : memref<128x128xf32, #tpu.memory_space<vmem>>, vector<1x16xf32>,
        %get3A_547 = vector.shape_cast %get3A_546 : vector<1x16xf32> to vector<16xf32>
        %mul3A_548 = arith.constant 11.3137083 : f32
        %mul3A_549 = vector.broadcast %mul3A_548 : f32 to vector<16xf32>
        %mul3A_550 = arith.mulf %get3A_547, %mul3A_549 : vector<16xf32>
        %mul3A_551 = arith.constant 2 : i32
        %mul3A_552 = arith.muli %mul3A_551, %scan3A_241 : i32
        %add3A_553 = arith.constant 1 : i32
        %add3A_554 = arith.addi %mul3A_552, %add3A_553 : i32
        %swap3A_555 = arith.index_cast %add3A_554 : i32 to index
        %swap3A_556 = arith.constant 112 : index
        %swap3A_557 = tpu.vector_load %arg8[%swap3A_555, %swap3A_556] {strides = array<i32>} : memref<128x128xf32, #tpu.memory_space<vmem>>, vector<1x16xf32>,
        %swap3A_558 = vector.shape_cast %swap3A_557 : vector<1x16xf32> to vector<16xf32>
        %swap3A_559 = vector.shape_cast %mul3A_550 : vector<16xf32> to vector<1x16xf32>
        tpu.vector_store %arg8[%swap3A_555, %swap3A_556], %swap3A_559 {strides = array<i32>} : memref<128x128xf32, #tpu.memory_space<vmem>>, vector<1x16xf32>,
      }
      %scan3A_169 = arith.constant 64 : i32
      %add3A_170 = arith.constant 2 : i32
      %add3A_171 = arith.addi %mul3A_88, %add3A_170 : i32
      %mul3A_172 = arith.constant 128 : i32
      %mul3A_173 = arith.muli %add3A_171, %mul3A_172 : i32
      %add3A_174 = arith.addi %mul3A_2, %mul3A_173 : i32
      %dma_start3A_175 = arith.constant 0 : i32
      %dma_start3A_176 = tpu.memref_slice %arg4[%add3A_174, %dma_start3A_175] : memref<819200x128xf32, #tpu.memory_space<hbm>> -> memref<128x128xf32, #tpu.memory_space<hbm>>
      %dma_start3A_177 = arith.constant 0 : i32
      %dma_start3A_178 = tpu.memref_slice %arg4[%add3A_174, %dma_start3A_177] : memref<819200x128xf32, #tpu.memory_space<hbm>> -> memref<128x128xf32, #tpu.memory_space<hbm>>
      tpu.enqueue_dma source(%arg8 : memref<128x128xf32, #tpu.memory_space<vmem>>) target(%dma_start3A_178 : memref<128x128xf32, #tpu.memory_space<hbm>>) target_semaphore(%arg18 : memref<!tpu.dma_semaphore, #tpu.memory_space<semaphore_mem>>)
      %add3A_179 = arith.constant 3 : i32
      %add3A_180 = arith.addi %mul3A_88, %add3A_179 : i32
      %mul3A_181 = arith.constant 1 : i32
      %mul3A_182 = arith.muli %mul3A_181, %add3A_180 : i32
      %add3A_183 = arith.constant 0 : i32
      %add3A_184 = arith.addi %mul3A_182, %add3A_183 : i32
      %dma_wait3A_185 = arith.constant 0 : i32
      %dma_wait3A_186 = arith.constant 0 : i32
      %dma_wait3A_187 = tpu.memref_slice %arg9[%dma_wait3A_185, %dma_wait3A_186] : memref<128x128xf32, #tpu.memory_space<vmem>> -> memref<128x128xf32, #tpu.memory_space<vmem>>
      %dma_wait3A_188 = arith.constant 0 : i32
      %dma_wait3A_189 = tpu.memref_slice %arg5[%add3A_184, %dma_wait3A_188] : memref<200x128xi32, #tpu.memory_space<vmem>> -> memref<1x128xi32, #tpu.memory_space<vmem>>
      %dma_wait3A_190 = tpu.memref_squeeze %dma_wait3A_189 : memref<1x128xi32, #tpu.memory_space<vmem>> -> memref<128xi32, #tpu.memory_space<vmem>>
      %dma_wait3A_191 = arith.constant 0 : i32
      %dma_wait3A_192 = arith.constant 0 : i32
      %dma_wait3A_193 = tpu.memref_slice %arg2[%dma_wait3A_191, %dma_wait3A_192] : memref<100000x128xf32, #tpu.memory_space<hbm>> -> memref<100000x128xf32, #tpu.memory_space<hbm>>
      tpu.wait_indirect_dma semaphore(%arg14 : memref<!tpu.dma_semaphore, #tpu.memory_space<semaphore_mem>>) src(%dma_wait3A_193 : memref<100000x128xf32, #tpu.memory_space<hbm>>) dst(%dma_wait3A_187 : memref<128x128xf32, #tpu.memory_space<vmem>>)
      %scan3A_194 = arith.constant 0 : i32
      %scan3A_195 = arith.constant 0 : i32
      %scan3A_196 = arith.constant 64 : i32
      %scan3A_197 = arith.addi %scan3A_195, %scan3A_196 : i32
      %scan3A_198 = arith.constant 1 : i32
      scf.for %scan3A_241 = %scan3A_195 to %scan3A_197 step %scan3A_198  : i32 {
        %mul3A_242 = arith.constant 2 : i32
        %mul3A_243 = arith.muli %mul3A_242, %scan3A_241 : i32
        %add3A_244 = arith.constant 0 : i32
        %add3A_245 = arith.addi %mul3A_243, %add3A_244 : i32
        %get3A = arith.index_cast %add3A_245 : i32 to index
        %get3A_246 = arith.constant 0 : index
        %get3A_247 = tpu.vector_load %arg9[%get3A, %get3A_246] {strides = array<i32>} : memref<128x128xf32, #tpu.memory_space<vmem>>, vector<1x16xf32>,
        %get3A_248 = vector.shape_cast %get3A_247 : vector<1x16xf32> to vector<16xf32>
        %mul3A_249 = arith.constant 11.3137083 : f32
        %mul3A_250 = vector.broadcast %mul3A_249 : f32 to vector<16xf32>
        %mul3A_251 = arith.mulf %get3A_248, %mul3A_250 : vector<16xf32>
        %mul3A_252 = arith.constant 2 : i32
        %mul3A_253 = arith.muli %mul3A_252, %scan3A_241 : i32
        %add3A_254 = arith.constant 0 : i32
        %add3A_255 = arith.addi %mul3A_253, %add3A_254 : i32
        %swap3A = arith.index_cast %add3A_255 : i32 to index
        %swap3A_256 = arith.constant 0 : index
        %swap3A_257 = tpu.vector_load %arg9[%swap3A, %swap3A_256] {strides = array<i32>} : memref<128x128xf32, #tpu.memory_space<vmem>>, vector<1x16xf32>,
        %swap3A_258 = vector.shape_cast %swap3A_257 : vector<1x16xf32> to vector<16xf32>
        %swap3A_259 = vector.shape_cast %mul3A_251 : vector<16xf32> to vector<1x16xf32>
        tpu.vector_store %arg9[%swap3A, %swap3A_256], %swap3A_259 {strides = array<i32>} : memref<128x128xf32, #tpu.memory_space<vmem>>, vector<1x16xf32>,
        %mul3A_260 = arith.constant 2 : i32
        %mul3A_261 = arith.muli %mul3A_260, %scan3A_241 : i32
        %add3A_262 = arith.constant 0 : i32
        %add3A_263 = arith.addi %mul3A_261, %add3A_262 : i32
        %get3A_264 = arith.index_cast %add3A_263 : i32 to index
        %get3A_265 = arith.constant 16 : index
        %get3A_266 = tpu.vector_load %arg9[%get3A_264, %get3A_265] {strides = array<i32>} : memref<128x128xf32, #tpu.memory_space<vmem>>, vector<1x16xf32>,
        %get3A_267 = vector.shape_cast %get3A_266 : vector<1x16xf32> to vector<16xf32>
        %mul3A_268 = arith.constant 11.3137083 : f32
        %mul3A_269 = vector.broadcast %mul3A_268 : f32 to vector<16xf32>
        %mul3A_270 = arith.mulf %get3A_267, %mul3A_269 : vector<16xf32>
        %mul3A_271 = arith.constant 2 : i32
        %mul3A_272 = arith.muli %mul3A_271, %scan3A_241 : i32
        %add3A_273 = arith.constant 0 : i32
        %add3A_274 = arith.addi %mul3A_272, %add3A_273 : i32
        %swap3A_275 = arith.index_cast %add3A_274 : i32 to index
        %swap3A_276 = arith.constant 16 : index
        %swap3A_277 = tpu.vector_load %arg9[%swap3A_275, %swap3A_276] {strides = array<i32>} : memref<128x128xf32, #tpu.memory_space<vmem>>, vector<1x16xf32>,
        %swap3A_278 = vector.shape_cast %swap3A_277 : vector<1x16xf32> to vector<16xf32>
        %swap3A_279 = vector.shape_cast %mul3A_270 : vector<16xf32> to vector<1x16xf32>
        tpu.vector_store %arg9[%swap3A_275, %swap3A_276], %swap3A_279 {strides = array<i32>} : memref<128x128xf32, #tpu.memory_space<vmem>>, vector<1x16xf32>,
        %mul3A_280 = arith.constant 2 : i32
        %mul3A_281 = arith.muli %mul3A_280, %scan3A_241 : i32
        %add3A_282 = arith.constant 0 : i32
        %add3A_283 = arith.addi %mul3A_281, %add3A_282 : i32
        %get3A_284 = arith.index_cast %add3A_283 : i32 to index
        %get3A_285 = arith.constant 32 : index
        %get3A_286 = tpu.vector_load %arg9[%get3A_284, %get3A_285] {strides = array<i32>} : memref<128x128xf32, #tpu.memory_space<vmem>>, vector<1x16xf32>,
        %get3A_287 = vector.shape_cast %get3A_286 : vector<1x16xf32> to vector<16xf32>
        %mul3A_288 = arith.constant 11.3137083 : f32
        %mul3A_289 = vector.broadcast %mul3A_288 : f32 to vector<16xf32>
        %mul3A_290 = arith.mulf %get3A_287, %mul3A_289 : vector<16xf32>
        %mul3A_291 = arith.constant 2 : i32
        %mul3A_292 = arith.muli %mul3A_291, %scan3A_241 : i32
        %add3A_293 = arith.constant 0 : i32
        %add3A_294 = arith.addi %mul3A_292, %add3A_293 : i32
        %swap3A_295 = arith.index_cast %add3A_294 : i32 to index
        %swap3A_296 = arith.constant 32 : index
        %swap3A_297 = tpu.vector_load %arg9[%swap3A_295, %swap3A_296] {strides = array<i32>} : memref<128x128xf32, #tpu.memory_space<vmem>>, vector<1x16xf32>,
        %swap3A_298 = vector.shape_cast %swap3A_297 : vector<1x16xf32> to vector<16xf32>
        %swap3A_299 = vector.shape_cast %mul3A_290 : vector<16xf32> to vector<1x16xf32>
        tpu.vector_store %arg9[%swap3A_295, %swap3A_296], %swap3A_299 {strides = array<i32>} : memref<128x128xf32, #tpu.memory_space<vmem>>, vector<1x16xf32>,
        %mul3A_300 = arith.constant 2 : i32
        %mul3A_301 = arith.muli %mul3A_300, %scan3A_241 : i32
        %add3A_302 = arith.constant 0 : i32
        %add3A_303 = arith.addi %mul3A_301, %add3A_302 : i32
        %get3A_304 = arith.index_cast %add3A_303 : i32 to index
        %get3A_305 = arith.constant 48 : index
        %get3A_306 = tpu.vector_load %arg9[%get3A_304, %get3A_305] {strides = array<i32>} : memref<128x128xf32, #tpu.memory_space<vmem>>, vector<1x16xf32>,
        %get3A_307 = vector.shape_cast %get3A_306 : vector<1x16xf32> to vector<16xf32>
        %mul3A_308 = arith.constant 11.3137083 : f32
        %mul3A_309 = vector.broadcast %mul3A_308 : f32 to vector<16xf32>
        %mul3A_310 = arith.mulf %get3A_307, %mul3A_309 : vector<16xf32>
        %mul3A_311 = arith.constant 2 : i32
        %mul3A_312 = arith.muli %mul3A_311, %scan3A_241 : i32
        %add3A_313 = arith.constant 0 : i32
        %add3A_314 = arith.addi %mul3A_312, %add3A_313 : i32
        %swap3A_315 = arith.index_cast %add3A_314 : i32 to index
        %swap3A_316 = arith.constant 48 : index
        %swap3A_317 = tpu.vector_load %arg9[%swap3A_315, %swap3A_316] {strides = array<i32>} : memref<128x128xf32, #tpu.memory_space<vmem>>, vector<1x16xf32>,
        %swap3A_318 = vector.shape_cast %swap3A_317 : vector<1x16xf32> to vector<16xf32>
        %swap3A_319 = vector.shape_cast %mul3A_310 : vector<16xf32> to vector<1x16xf32>
        tpu.vector_store %arg9[%swap3A_315, %swap3A_316], %swap3A_319 {strides = array<i32>} : memref<128x128xf32, #tpu.memory_space<vmem>>, vector<1x16xf32>,
        %mul3A_320 = arith.constant 2 : i32
        %mul3A_321 = arith.muli %mul3A_320, %scan3A_241 : i32
        %add3A_322 = arith.constant 0 : i32
        %add3A_323 = arith.addi %mul3A_321, %add3A_322 : i32
        %get3A_324 = arith.index_cast %add3A_323 : i32 to index
        %get3A_325 = arith.constant 64 : index
        %get3A_326 = tpu.vector_load %arg9[%get3A_324, %get3A_325] {strides = array<i32>} : memref<128x128xf32, #tpu.memory_space<vmem>>, vector<1x16xf32>,
        %get3A_327 = vector.shape_cast %get3A_326 : vector<1x16xf32> to vector<16xf32>
        %mul3A_328 = arith.constant 11.3137083 : f32
        %mul3A_329 = vector.broadcast %mul3A_328 : f32 to vector<16xf32>
        %mul3A_330 = arith.mulf %get3A_327, %mul3A_329 : vector<16xf32>
        %mul3A_331 = arith.constant 2 : i32
        %mul3A_332 = arith.muli %mul3A_331, %scan3A_241 : i32
        %add3A_333 = arith.constant 0 : i32
        %add3A_334 = arith.addi %mul3A_332, %add3A_333 : i32
        %swap3A_335 = arith.index_cast %add3A_334 : i32 to index
        %swap3A_336 = arith.constant 64 : index
        %swap3A_337 = tpu.vector_load %arg9[%swap3A_335, %swap3A_336] {strides = array<i32>} : memref<128x128xf32, #tpu.memory_space<vmem>>, vector<1x16xf32>,
        %swap3A_338 = vector.shape_cast %swap3A_337 : vector<1x16xf32> to vector<16xf32>
        %swap3A_339 = vector.shape_cast %mul3A_330 : vector<16xf32> to vector<1x16xf32>
        tpu.vector_store %arg9[%swap3A_335, %swap3A_336], %swap3A_339 {strides = array<i32>} : memref<128x128xf32, #tpu.memory_space<vmem>>, vector<1x16xf32>,
        %mul3A_340 = arith.constant 2 : i32
        %mul3A_341 = arith.muli %mul3A_340, %scan3A_241 : i32
        %add3A_342 = arith.constant 0 : i32
        %add3A_343 = arith.addi %mul3A_341, %add3A_342 : i32
        %get3A_344 = arith.index_cast %add3A_343 : i32 to index
        %get3A_345 = arith.constant 80 : index
        %get3A_346 = tpu.vector_load %arg9[%get3A_344, %get3A_345] {strides = array<i32>} : memref<128x128xf32, #tpu.memory_space<vmem>>, vector<1x16xf32>,
        %get3A_347 = vector.shape_cast %get3A_346 : vector<1x16xf32> to vector<16xf32>
        %mul3A_348 = arith.constant 11.3137083 : f32
        %mul3A_349 = vector.broadcast %mul3A_348 : f32 to vector<16xf32>
        %mul3A_350 = arith.mulf %get3A_347, %mul3A_349 : vector<16xf32>
        %mul3A_351 = arith.constant 2 : i32
        %mul3A_352 = arith.muli %mul3A_351, %scan3A_241 : i32
        %add3A_353 = arith.constant 0 : i32
        %add3A_354 = arith.addi %mul3A_352, %add3A_353 : i32
        %swap3A_355 = arith.index_cast %add3A_354 : i32 to index
        %swap3A_356 = arith.constant 80 : index
        %swap3A_357 = tpu.vector_load %arg9[%swap3A_355, %swap3A_356] {strides = array<i32>} : memref<128x128xf32, #tpu.memory_space<vmem>>, vector<1x16xf32>,
        %swap3A_358 = vector.shape_cast %swap3A_357 : vector<1x16xf32> to vector<16xf32>
        %swap3A_359 = vector.shape_cast %mul3A_350 : vector<16xf32> to vector<1x16xf32>
        tpu.vector_store %arg9[%swap3A_355, %swap3A_356], %swap3A_359 {strides = array<i32>} : memref<128x128xf32, #tpu.memory_space<vmem>>, vector<1x16xf32>,
        %mul3A_360 = arith.constant 2 : i32
        %mul3A_361 = arith.muli %mul3A_360, %scan3A_241 : i32
        %add3A_362 = arith.constant 0 : i32
        %add3A_363 = arith.addi %mul3A_361, %add3A_362 : i32
        %get3A_364 = arith.index_cast %add3A_363 : i32 to index
        %get3A_365 = arith.constant 96 : index
        %get3A_366 = tpu.vector_load %arg9[%get3A_364, %get3A_365] {strides = array<i32>} : memref<128x128xf32, #tpu.memory_space<vmem>>, vector<1x16xf32>,
        %get3A_367 = vector.shape_cast %get3A_366 : vector<1x16xf32> to vector<16xf32>
        %mul3A_368 = arith.constant 11.3137083 : f32
        %mul3A_369 = vector.broadcast %mul3A_368 : f32 to vector<16xf32>
        %mul3A_370 = arith.mulf %get3A_367, %mul3A_369 : vector<16xf32>
        %mul3A_371 = arith.constant 2 : i32
        %mul3A_372 = arith.muli %mul3A_371, %scan3A_241 : i32
        %add3A_373 = arith.constant 0 : i32
        %add3A_374 = arith.addi %mul3A_372, %add3A_373 : i32
        %swap3A_375 = arith.index_cast %add3A_374 : i32 to index
        %swap3A_376 = arith.constant 96 : index
        %swap3A_377 = tpu.vector_load %arg9[%swap3A_375, %swap3A_376] {strides = array<i32>} : memref<128x128xf32, #tpu.memory_space<vmem>>, vector<1x16xf32>,
        %swap3A_378 = vector.shape_cast %swap3A_377 : vector<1x16xf32> to vector<16xf32>
        %swap3A_379 = vector.shape_cast %mul3A_370 : vector<16xf32> to vector<1x16xf32>
        tpu.vector_store %arg9[%swap3A_375, %swap3A_376], %swap3A_379 {strides = array<i32>} : memref<128x128xf32, #tpu.memory_space<vmem>>, vector<1x16xf32>,
        %mul3A_380 = arith.constant 2 : i32
        %mul3A_381 = arith.muli %mul3A_380, %scan3A_241 : i32
        %add3A_382 = arith.constant 0 : i32
        %add3A_383 = arith.addi %mul3A_381, %add3A_382 : i32
        %get3A_384 = arith.index_cast %add3A_383 : i32 to index
        %get3A_385 = arith.constant 112 : index
        %get3A_386 = tpu.vector_load %arg9[%get3A_384, %get3A_385] {strides = array<i32>} : memref<128x128xf32, #tpu.memory_space<vmem>>, vector<1x16xf32>,
        %get3A_387 = vector.shape_cast %get3A_386 : vector<1x16xf32> to vector<16xf32>
        %mul3A_388 = arith.constant 11.3137083 : f32
        %mul3A_389 = vector.broadcast %mul3A_388 : f32 to vector<16xf32>
        %mul3A_390 = arith.mulf %get3A_387, %mul3A_389 : vector<16xf32>
        %mul3A_391 = arith.constant 2 : i32
        %mul3A_392 = arith.muli %mul3A_391, %scan3A_241 : i32
        %add3A_393 = arith.constant 0 : i32
        %add3A_394 = arith.addi %mul3A_392, %add3A_393 : i32
        %swap3A_395 = arith.index_cast %add3A_394 : i32 to index
        %swap3A_396 = arith.constant 112 : index
        %swap3A_397 = tpu.vector_load %arg9[%swap3A_395, %swap3A_396] {strides = array<i32>} : memref<128x128xf32, #tpu.memory_space<vmem>>, vector<1x16xf32>,
        %swap3A_398 = vector.shape_cast %swap3A_397 : vector<1x16xf32> to vector<16xf32>
        %swap3A_399 = vector.shape_cast %mul3A_390 : vector<16xf32> to vector<1x16xf32>
        tpu.vector_store %arg9[%swap3A_395, %swap3A_396], %swap3A_399 {strides = array<i32>} : memref<128x128xf32, #tpu.memory_space<vmem>>, vector<1x16xf32>,
        %mul3A_400 = arith.constant 2 : i32
        %mul3A_401 = arith.muli %mul3A_400, %scan3A_241 : i32
        %add3A_402 = arith.constant 1 : i32
        %add3A_403 = arith.addi %mul3A_401, %add3A_402 : i32
        %get3A_404 = arith.index_cast %add3A_403 : i32 to index
        %get3A_405 = arith.constant 0 : index
        %get3A_406 = tpu.vector_load %arg9[%get3A_404, %get3A_405] {strides = array<i32>} : memref<128x128xf32, #tpu.memory_space<vmem>>, vector<1x16xf32>,
        %get3A_407 = vector.shape_cast %get3A_406 : vector<1x16xf32> to vector<16xf32>
        %mul3A_408 = arith.constant 11.3137083 : f32
        %mul3A_409 = vector.broadcast %mul3A_408 : f32 to vector<16xf32>
        %mul3A_410 = arith.mulf %get3A_407, %mul3A_409 : vector<16xf32>
        %mul3A_411 = arith.constant 2 : i32
        %mul3A_412 = arith.muli %mul3A_411, %scan3A_241 : i32
        %add3A_413 = arith.constant 1 : i32
        %add3A_414 = arith.addi %mul3A_412, %add3A_413 : i32
        %swap3A_415 = arith.index_cast %add3A_414 : i32 to index
        %swap3A_416 = arith.constant 0 : index
        %swap3A_417 = tpu.vector_load %arg9[%swap3A_415, %swap3A_416] {strides = array<i32>} : memref<128x128xf32, #tpu.memory_space<vmem>>, vector<1x16xf32>,
        %swap3A_418 = vector.shape_cast %swap3A_417 : vector<1x16xf32> to vector<16xf32>
        %swap3A_419 = vector.shape_cast %mul3A_410 : vector<16xf32> to vector<1x16xf32>
        tpu.vector_store %arg9[%swap3A_415, %swap3A_416], %swap3A_419 {strides = array<i32>} : memref<128x128xf32, #tpu.memory_space<vmem>>, vector<1x16xf32>,
        %mul3A_420 = arith.constant 2 : i32
        %mul3A_421 = arith.muli %mul3A_420, %scan3A_241 : i32
        %add3A_422 = arith.constant 1 : i32
        %add3A_423 = arith.addi %mul3A_421, %add3A_422 : i32
        %get3A_424 = arith.index_cast %add3A_423 : i32 to index
        %get3A_425 = arith.constant 16 : index
        %get3A_426 = tpu.vector_load %arg9[%get3A_424, %get3A_425] {strides = array<i32>} : memref<128x128xf32, #tpu.memory_space<vmem>>, vector<1x16xf32>,
        %get3A_427 = vector.shape_cast %get3A_426 : vector<1x16xf32> to vector<16xf32>
        %mul3A_428 = arith.constant 11.3137083 : f32
        %mul3A_429 = vector.broadcast %mul3A_428 : f32 to vector<16xf32>
        %mul3A_430 = arith.mulf %get3A_427, %mul3A_429 : vector<16xf32>
        %mul3A_431 = arith.constant 2 : i32
        %mul3A_432 = arith.muli %mul3A_431, %scan3A_241 : i32
        %add3A_433 = arith.constant 1 : i32
        %add3A_434 = arith.addi %mul3A_432, %add3A_433 : i32
        %swap3A_435 = arith.index_cast %add3A_434 : i32 to index
        %swap3A_436 = arith.constant 16 : index
        %swap3A_437 = tpu.vector_load %arg9[%swap3A_435, %swap3A_436] {strides = array<i32>} : memref<128x128xf32, #tpu.memory_space<vmem>>, vector<1x16xf32>,
        %swap3A_438 = vector.shape_cast %swap3A_437 : vector<1x16xf32> to vector<16xf32>
        %swap3A_439 = vector.shape_cast %mul3A_430 : vector<16xf32> to vector<1x16xf32>
        tpu.vector_store %arg9[%swap3A_435, %swap3A_436], %swap3A_439 {strides = array<i32>} : memref<128x128xf32, #tpu.memory_space<vmem>>, vector<1x16xf32>,
        %mul3A_440 = arith.constant 2 : i32
        %mul3A_441 = arith.muli %mul3A_440, %scan3A_241 : i32
        %add3A_442 = arith.constant 1 : i32
        %add3A_443 = arith.addi %mul3A_441, %add3A_442 : i32
        %get3A_444 = arith.index_cast %add3A_443 : i32 to index
        %get3A_445 = arith.constant 32 : index
        %get3A_446 = tpu.vector_load %arg9[%get3A_444, %get3A_445] {strides = array<i32>} : memref<128x128xf32, #tpu.memory_space<vmem>>, vector<1x16xf32>,
        %get3A_447 = vector.shape_cast %get3A_446 : vector<1x16xf32> to vector<16xf32>
        %mul3A_448 = arith.constant 11.3137083 : f32
        %mul3A_449 = vector.broadcast %mul3A_448 : f32 to vector<16xf32>
        %mul3A_450 = arith.mulf %get3A_447, %mul3A_449 : vector<16xf32>
        %mul3A_451 = arith.constant 2 : i32
        %mul3A_452 = arith.muli %mul3A_451, %scan3A_241 : i32
        %add3A_453 = arith.constant 1 : i32
        %add3A_454 = arith.addi %mul3A_452, %add3A_453 : i32
        %swap3A_455 = arith.index_cast %add3A_454 : i32 to index
        %swap3A_456 = arith.constant 32 : index
        %swap3A_457 = tpu.vector_load %arg9[%swap3A_455, %swap3A_456] {strides = array<i32>} : memref<128x128xf32, #tpu.memory_space<vmem>>, vector<1x16xf32>,
        %swap3A_458 = vector.shape_cast %swap3A_457 : vector<1x16xf32> to vector<16xf32>
        %swap3A_459 = vector.shape_cast %mul3A_450 : vector<16xf32> to vector<1x16xf32>
        tpu.vector_store %arg9[%swap3A_455, %swap3A_456], %swap3A_459 {strides = array<i32>} : memref<128x128xf32, #tpu.memory_space<vmem>>, vector<1x16xf32>,
        %mul3A_460 = arith.constant 2 : i32
        %mul3A_461 = arith.muli %mul3A_460, %scan3A_241 : i32
        %add3A_462 = arith.constant 1 : i32
        %add3A_463 = arith.addi %mul3A_461, %add3A_462 : i32
        %get3A_464 = arith.index_cast %add3A_463 : i32 to index
        %get3A_465 = arith.constant 48 : index
        %get3A_466 = tpu.vector_load %arg9[%get3A_464, %get3A_465] {strides = array<i32>} : memref<128x128xf32, #tpu.memory_space<vmem>>, vector<1x16xf32>,
        %get3A_467 = vector.shape_cast %get3A_466 : vector<1x16xf32> to vector<16xf32>
        %mul3A_468 = arith.constant 11.3137083 : f32
        %mul3A_469 = vector.broadcast %mul3A_468 : f32 to vector<16xf32>
        %mul3A_470 = arith.mulf %get3A_467, %mul3A_469 : vector<16xf32>
        %mul3A_471 = arith.constant 2 : i32
        %mul3A_472 = arith.muli %mul3A_471, %scan3A_241 : i32
        %add3A_473 = arith.constant 1 : i32
        %add3A_474 = arith.addi %mul3A_472, %add3A_473 : i32
        %swap3A_475 = arith.index_cast %add3A_474 : i32 to index
        %swap3A_476 = arith.constant 48 : index
        %swap3A_477 = tpu.vector_load %arg9[%swap3A_475, %swap3A_476] {strides = array<i32>} : memref<128x128xf32, #tpu.memory_space<vmem>>, vector<1x16xf32>,
        %swap3A_478 = vector.shape_cast %swap3A_477 : vector<1x16xf32> to vector<16xf32>
        %swap3A_479 = vector.shape_cast %mul3A_470 : vector<16xf32> to vector<1x16xf32>
        tpu.vector_store %arg9[%swap3A_475, %swap3A_476], %swap3A_479 {strides = array<i32>} : memref<128x128xf32, #tpu.memory_space<vmem>>, vector<1x16xf32>,
        %mul3A_480 = arith.constant 2 : i32
        %mul3A_481 = arith.muli %mul3A_480, %scan3A_241 : i32
        %add3A_482 = arith.constant 1 : i32
        %add3A_483 = arith.addi %mul3A_481, %add3A_482 : i32
        %get3A_484 = arith.index_cast %add3A_483 : i32 to index
        %get3A_485 = arith.constant 64 : index
        %get3A_486 = tpu.vector_load %arg9[%get3A_484, %get3A_485] {strides = array<i32>} : memref<128x128xf32, #tpu.memory_space<vmem>>, vector<1x16xf32>,
        %get3A_487 = vector.shape_cast %get3A_486 : vector<1x16xf32> to vector<16xf32>
        %mul3A_488 = arith.constant 11.3137083 : f32
        %mul3A_489 = vector.broadcast %mul3A_488 : f32 to vector<16xf32>
        %mul3A_490 = arith.mulf %get3A_487, %mul3A_489 : vector<16xf32>
        %mul3A_491 = arith.constant 2 : i32
        %mul3A_492 = arith.muli %mul3A_491, %scan3A_241 : i32
        %add3A_493 = arith.constant 1 : i32
        %add3A_494 = arith.addi %mul3A_492, %add3A_493 : i32
        %swap3A_495 = arith.index_cast %add3A_494 : i32 to index
        %swap3A_496 = arith.constant 64 : index
        %swap3A_497 = tpu.vector_load %arg9[%swap3A_495, %swap3A_496] {strides = array<i32>} : memref<128x128xf32, #tpu.memory_space<vmem>>, vector<1x16xf32>,
        %swap3A_498 = vector.shape_cast %swap3A_497 : vector<1x16xf32> to vector<16xf32>
        %swap3A_499 = vector.shape_cast %mul3A_490 : vector<16xf32> to vector<1x16xf32>
        tpu.vector_store %arg9[%swap3A_495, %swap3A_496], %swap3A_499 {strides = array<i32>} : memref<128x128xf32, #tpu.memory_space<vmem>>, vector<1x16xf32>,
        %mul3A_500 = arith.constant 2 : i32
        %mul3A_501 = arith.muli %mul3A_500, %scan3A_241 : i32
        %add3A_502 = arith.constant 1 : i32
        %add3A_503 = arith.addi %mul3A_501, %add3A_502 : i32
        %get3A_504 = arith.index_cast %add3A_503 : i32 to index
        %get3A_505 = arith.constant 80 : index
        %get3A_506 = tpu.vector_load %arg9[%get3A_504, %get3A_505] {strides = array<i32>} : memref<128x128xf32, #tpu.memory_space<vmem>>, vector<1x16xf32>,
        %get3A_507 = vector.shape_cast %get3A_506 : vector<1x16xf32> to vector<16xf32>
        %mul3A_508 = arith.constant 11.3137083 : f32
        %mul3A_509 = vector.broadcast %mul3A_508 : f32 to vector<16xf32>
        %mul3A_510 = arith.mulf %get3A_507, %mul3A_509 : vector<16xf32>
        %mul3A_511 = arith.constant 2 : i32
        %mul3A_512 = arith.muli %mul3A_511, %scan3A_241 : i32
        %add3A_513 = arith.constant 1 : i32
        %add3A_514 = arith.addi %mul3A_512, %add3A_513 : i32
        %swap3A_515 = arith.index_cast %add3A_514 : i32 to index
        %swap3A_516 = arith.constant 80 : index
        %swap3A_517 = tpu.vector_load %arg9[%swap3A_515, %swap3A_516] {strides = array<i32>} : memref<128x128xf32, #tpu.memory_space<vmem>>, vector<1x16xf32>,
        %swap3A_518 = vector.shape_cast %swap3A_517 : vector<1x16xf32> to vector<16xf32>
        %swap3A_519 = vector.shape_cast %mul3A_510 : vector<16xf32> to vector<1x16xf32>
        tpu.vector_store %arg9[%swap3A_515, %swap3A_516], %swap3A_519 {strides = array<i32>} : memref<128x128xf32, #tpu.memory_space<vmem>>, vector<1x16xf32>,
        %mul3A_520 = arith.constant 2 : i32
        %mul3A_521 = arith.muli %mul3A_520, %scan3A_241 : i32
        %add3A_522 = arith.constant 1 : i32
        %add3A_523 = arith.addi %mul3A_521, %add3A_522 : i32
        %get3A_524 = arith.index_cast %add3A_523 : i32 to index
        %get3A_525 = arith.constant 96 : index
        %get3A_526 = tpu.vector_load %arg9[%get3A_524, %get3A_525] {strides = array<i32>} : memref<128x128xf32, #tpu.memory_space<vmem>>, vector<1x16xf32>,
        %get3A_527 = vector.shape_cast %get3A_526 : vector<1x16xf32> to vector<16xf32>
        %mul3A_528 = arith.constant 11.3137083 : f32
        %mul3A_529 = vector.broadcast %mul3A_528 : f32 to vector<16xf32>
        %mul3A_530 = arith.mulf %get3A_527, %mul3A_529 : vector<16xf32>
        %mul3A_531 = arith.constant 2 : i32
        %mul3A_532 = arith.muli %mul3A_531, %scan3A_241 : i32
        %add3A_533 = arith.constant 1 : i32
        %add3A_534 = arith.addi %mul3A_532, %add3A_533 : i32
        %swap3A_535 = arith.index_cast %add3A_534 : i32 to index
        %swap3A_536 = arith.constant 96 : index
        %swap3A_537 = tpu.vector_load %arg9[%swap3A_535, %swap3A_536] {strides = array<i32>} : memref<128x128xf32, #tpu.memory_space<vmem>>, vector<1x16xf32>,
        %swap3A_538 = vector.shape_cast %swap3A_537 : vector<1x16xf32> to vector<16xf32>
        %swap3A_539 = vector.shape_cast %mul3A_530 : vector<16xf32> to vector<1x16xf32>
        tpu.vector_store %arg9[%swap3A_535, %swap3A_536], %swap3A_539 {strides = array<i32>} : memref<128x128xf32, #tpu.memory_space<vmem>>, vector<1x16xf32>,
        %mul3A_540 = arith.constant 2 : i32
        %mul3A_541 = arith.muli %mul3A_540, %scan3A_241 : i32
        %add3A_542 = arith.constant 1 : i32
        %add3A_543 = arith.addi %mul3A_541, %add3A_542 : i32
        %get3A_544 = arith.index_cast %add3A_543 : i32 to index
        %get3A_545 = arith.constant 112 : index
        %get3A_546 = tpu.vector_load %arg9[%get3A_544, %get3A_545] {strides = array<i32>} : memref<128x128xf32, #tpu.memory_space<vmem>>, vector<1x16xf32>,
        %get3A_547 = vector.shape_cast %get3A_546 : vector<1x16xf32> to vector<16xf32>
        %mul3A_548 = arith.constant 11.3137083 : f32
        %mul3A_549 = vector.broadcast %mul3A_548 : f32 to vector<16xf32>
        %mul3A_550 = arith.mulf %get3A_547, %mul3A_549 : vector<16xf32>
        %mul3A_551 = arith.constant 2 : i32
        %mul3A_552 = arith.muli %mul3A_551, %scan3A_241 : i32
        %add3A_553 = arith.constant 1 : i32
        %add3A_554 = arith.addi %mul3A_552, %add3A_553 : i32
        %swap3A_555 = arith.index_cast %add3A_554 : i32 to index
        %swap3A_556 = arith.constant 112 : index
        %swap3A_557 = tpu.vector_load %arg9[%swap3A_555, %swap3A_556] {strides = array<i32>} : memref<128x128xf32, #tpu.memory_space<vmem>>, vector<1x16xf32>,
        %swap3A_558 = vector.shape_cast %swap3A_557 : vector<1x16xf32> to vector<16xf32>
        %swap3A_559 = vector.shape_cast %mul3A_550 : vector<16xf32> to vector<1x16xf32>
        tpu.vector_store %arg9[%swap3A_555, %swap3A_556], %swap3A_559 {strides = array<i32>} : memref<128x128xf32, #tpu.memory_space<vmem>>, vector<1x16xf32>,
      }
      %scan3A_199 = arith.constant 64 : i32
      %add3A_200 = arith.constant 3 : i32
      %add3A_201 = arith.addi %mul3A_88, %add3A_200 : i32
      %mul3A_202 = arith.constant 128 : i32
      %mul3A_203 = arith.muli %add3A_201, %mul3A_202 : i32
      %add3A_204 = arith.addi %mul3A_2, %mul3A_203 : i32
      %dma_start3A_205 = arith.constant 0 : i32
      %dma_start3A_206 = tpu.memref_slice %arg4[%add3A_204, %dma_start3A_205] : memref<819200x128xf32, #tpu.memory_space<hbm>> -> memref<128x128xf32, #tpu.memory_space<hbm>>
      %dma_start3A_207 = arith.constant 0 : i32
      %dma_start3A_208 = tpu.memref_slice %arg4[%add3A_204, %dma_start3A_207] : memref<819200x128xf32, #tpu.memory_space<hbm>> -> memref<128x128xf32, #tpu.memory_space<hbm>>
      tpu.enqueue_dma source(%arg9 : memref<128x128xf32, #tpu.memory_space<vmem>>) target(%dma_start3A_208 : memref<128x128xf32, #tpu.memory_space<hbm>>) target_semaphore(%arg19 : memref<!tpu.dma_semaphore, #tpu.memory_space<semaphore_mem>>)
      %add3A_209 = arith.constant 4 : i32
      %add3A_210 = arith.addi %mul3A_88, %add3A_209 : i32
      %mul3A_211 = arith.constant 1 : i32
      %mul3A_212 = arith.muli %mul3A_211, %add3A_210 : i32
      %add3A_213 = arith.constant 0 : i32
      %add3A_214 = arith.addi %mul3A_212, %add3A_213 : i32
      %dma_wait3A_215 = arith.constant 0 : i32
      %dma_wait3A_216 = arith.constant 0 : i32
      %dma_wait3A_217 = tpu.memref_slice %arg10[%dma_wait3A_215, %dma_wait3A_216] : memref<128x128xf32, #tpu.memory_space<vmem>> -> memref<128x128xf32, #tpu.memory_space<vmem>>
      %dma_wait3A_218 = arith.constant 0 : i32
      %dma_wait3A_219 = tpu.memref_slice %arg5[%add3A_214, %dma_wait3A_218] : memref<200x128xi32, #tpu.memory_space<vmem>> -> memref<1x128xi32, #tpu.memory_space<vmem>>
      %dma_wait3A_220 = tpu.memref_squeeze %dma_wait3A_219 : memref<1x128xi32, #tpu.memory_space<vmem>> -> memref<128xi32, #tpu.memory_space<vmem>>
      %dma_wait3A_221 = arith.constant 0 : i32
      %dma_wait3A_222 = arith.constant 0 : i32
      %dma_wait3A_223 = tpu.memref_slice %arg2[%dma_wait3A_221, %dma_wait3A_222] : memref<100000x128xf32, #tpu.memory_space<hbm>> -> memref<100000x128xf32, #tpu.memory_space<hbm>>
      tpu.wait_indirect_dma semaphore(%arg15 : memref<!tpu.dma_semaphore, #tpu.memory_space<semaphore_mem>>) src(%dma_wait3A_223 : memref<100000x128xf32, #tpu.memory_space<hbm>>) dst(%dma_wait3A_217 : memref<128x128xf32, #tpu.memory_space<vmem>>)
      %scan3A_224 = arith.constant 0 : i32
      %scan3A_225 = arith.constant 0 : i32
      %scan3A_226 = arith.constant 64 : i32
      %scan3A_227 = arith.addi %scan3A_225, %scan3A_226 : i32
      %scan3A_228 = arith.constant 1 : i32
      scf.for %scan3A_241 = %scan3A_225 to %scan3A_227 step %scan3A_228  : i32 {
        %mul3A_242 = arith.constant 2 : i32
        %mul3A_243 = arith.muli %mul3A_242, %scan3A_241 : i32
        %add3A_244 = arith.constant 0 : i32
        %add3A_245 = arith.addi %mul3A_243, %add3A_244 : i32
        %get3A = arith.index_cast %add3A_245 : i32 to index
        %get3A_246 = arith.constant 0 : index
        %get3A_247 = tpu.vector_load %arg10[%get3A, %get3A_246] {strides = array<i32>} : memref<128x128xf32, #tpu.memory_space<vmem>>, vector<1x16xf32>,
        %get3A_248 = vector.shape_cast %get3A_247 : vector<1x16xf32> to vector<16xf32>
        %mul3A_249 = arith.constant 11.3137083 : f32
        %mul3A_250 = vector.broadcast %mul3A_249 : f32 to vector<16xf32>
        %mul3A_251 = arith.mulf %get3A_248, %mul3A_250 : vector<16xf32>
        %mul3A_252 = arith.constant 2 : i32
        %mul3A_253 = arith.muli %mul3A_252, %scan3A_241 : i32
        %add3A_254 = arith.constant 0 : i32
        %add3A_255 = arith.addi %mul3A_253, %add3A_254 : i32
        %swap3A = arith.index_cast %add3A_255 : i32 to index
        %swap3A_256 = arith.constant 0 : index
        %swap3A_257 = tpu.vector_load %arg10[%swap3A, %swap3A_256] {strides = array<i32>} : memref<128x128xf32, #tpu.memory_space<vmem>>, vector<1x16xf32>,
        %swap3A_258 = vector.shape_cast %swap3A_257 : vector<1x16xf32> to vector<16xf32>
        %swap3A_259 = vector.shape_cast %mul3A_251 : vector<16xf32> to vector<1x16xf32>
        tpu.vector_store %arg10[%swap3A, %swap3A_256], %swap3A_259 {strides = array<i32>} : memref<128x128xf32, #tpu.memory_space<vmem>>, vector<1x16xf32>,
        %mul3A_260 = arith.constant 2 : i32
        %mul3A_261 = arith.muli %mul3A_260, %scan3A_241 : i32
        %add3A_262 = arith.constant 0 : i32
        %add3A_263 = arith.addi %mul3A_261, %add3A_262 : i32
        %get3A_264 = arith.index_cast %add3A_263 : i32 to index
        %get3A_265 = arith.constant 16 : index
        %get3A_266 = tpu.vector_load %arg10[%get3A_264, %get3A_265] {strides = array<i32>} : memref<128x128xf32, #tpu.memory_space<vmem>>, vector<1x16xf32>,
        %get3A_267 = vector.shape_cast %get3A_266 : vector<1x16xf32> to vector<16xf32>
        %mul3A_268 = arith.constant 11.3137083 : f32
        %mul3A_269 = vector.broadcast %mul3A_268 : f32 to vector<16xf32>
        %mul3A_270 = arith.mulf %get3A_267, %mul3A_269 : vector<16xf32>
        %mul3A_271 = arith.constant 2 : i32
        %mul3A_272 = arith.muli %mul3A_271, %scan3A_241 : i32
        %add3A_273 = arith.constant 0 : i32
        %add3A_274 = arith.addi %mul3A_272, %add3A_273 : i32
        %swap3A_275 = arith.index_cast %add3A_274 : i32 to index
        %swap3A_276 = arith.constant 16 : index
        %swap3A_277 = tpu.vector_load %arg10[%swap3A_275, %swap3A_276] {strides = array<i32>} : memref<128x128xf32, #tpu.memory_space<vmem>>, vector<1x16xf32>,
        %swap3A_278 = vector.shape_cast %swap3A_277 : vector<1x16xf32> to vector<16xf32>
        %swap3A_279 = vector.shape_cast %mul3A_270 : vector<16xf32> to vector<1x16xf32>
        tpu.vector_store %arg10[%swap3A_275, %swap3A_276], %swap3A_279 {strides = array<i32>} : memref<128x128xf32, #tpu.memory_space<vmem>>, vector<1x16xf32>,
        %mul3A_280 = arith.constant 2 : i32
        %mul3A_281 = arith.muli %mul3A_280, %scan3A_241 : i32
        %add3A_282 = arith.constant 0 : i32
        %add3A_283 = arith.addi %mul3A_281, %add3A_282 : i32
        %get3A_284 = arith.index_cast %add3A_283 : i32 to index
        %get3A_285 = arith.constant 32 : index
        %get3A_286 = tpu.vector_load %arg10[%get3A_284, %get3A_285] {strides = array<i32>} : memref<128x128xf32, #tpu.memory_space<vmem>>, vector<1x16xf32>,
        %get3A_287 = vector.shape_cast %get3A_286 : vector<1x16xf32> to vector<16xf32>
        %mul3A_288 = arith.constant 11.3137083 : f32
        %mul3A_289 = vector.broadcast %mul3A_288 : f32 to vector<16xf32>
        %mul3A_290 = arith.mulf %get3A_287, %mul3A_289 : vector<16xf32>
        %mul3A_291 = arith.constant 2 : i32
        %mul3A_292 = arith.muli %mul3A_291, %scan3A_241 : i32
        %add3A_293 = arith.constant 0 : i32
        %add3A_294 = arith.addi %mul3A_292, %add3A_293 : i32
        %swap3A_295 = arith.index_cast %add3A_294 : i32 to index
        %swap3A_296 = arith.constant 32 : index
        %swap3A_297 = tpu.vector_load %arg10[%swap3A_295, %swap3A_296] {strides = array<i32>} : memref<128x128xf32, #tpu.memory_space<vmem>>, vector<1x16xf32>,
        %swap3A_298 = vector.shape_cast %swap3A_297 : vector<1x16xf32> to vector<16xf32>
        %swap3A_299 = vector.shape_cast %mul3A_290 : vector<16xf32> to vector<1x16xf32>
        tpu.vector_store %arg10[%swap3A_295, %swap3A_296], %swap3A_299 {strides = array<i32>} : memref<128x128xf32, #tpu.memory_space<vmem>>, vector<1x16xf32>,
        %mul3A_300 = arith.constant 2 : i32
        %mul3A_301 = arith.muli %mul3A_300, %scan3A_241 : i32
        %add3A_302 = arith.constant 0 : i32
        %add3A_303 = arith.addi %mul3A_301, %add3A_302 : i32
        %get3A_304 = arith.index_cast %add3A_303 : i32 to index
        %get3A_305 = arith.constant 48 : index
        %get3A_306 = tpu.vector_load %arg10[%get3A_304, %get3A_305] {strides = array<i32>} : memref<128x128xf32, #tpu.memory_space<vmem>>, vector<1x16xf32>,
        %get3A_307 = vector.shape_cast %get3A_306 : vector<1x16xf32> to vector<16xf32>
        %mul3A_308 = arith.constant 11.3137083 : f32
        %mul3A_309 = vector.broadcast %mul3A_308 : f32 to vector<16xf32>
        %mul3A_310 = arith.mulf %get3A_307, %mul3A_309 : vector<16xf32>
        %mul3A_311 = arith.constant 2 : i32
        %mul3A_312 = arith.muli %mul3A_311, %scan3A_241 : i32
        %add3A_313 = arith.constant 0 : i32
        %add3A_314 = arith.addi %mul3A_312, %add3A_313 : i32
        %swap3A_315 = arith.index_cast %add3A_314 : i32 to index
        %swap3A_316 = arith.constant 48 : index
        %swap3A_317 = tpu.vector_load %arg10[%swap3A_315, %swap3A_316] {strides = array<i32>} : memref<128x128xf32, #tpu.memory_space<vmem>>, vector<1x16xf32>,
        %swap3A_318 = vector.shape_cast %swap3A_317 : vector<1x16xf32> to vector<16xf32>
        %swap3A_319 = vector.shape_cast %mul3A_310 : vector<16xf32> to vector<1x16xf32>
        tpu.vector_store %arg10[%swap3A_315, %swap3A_316], %swap3A_319 {strides = array<i32>} : memref<128x128xf32, #tpu.memory_space<vmem>>, vector<1x16xf32>,
        %mul3A_320 = arith.constant 2 : i32
        %mul3A_321 = arith.muli %mul3A_320, %scan3A_241 : i32
        %add3A_322 = arith.constant 0 : i32
        %add3A_323 = arith.addi %mul3A_321, %add3A_322 : i32
        %get3A_324 = arith.index_cast %add3A_323 : i32 to index
        %get3A_325 = arith.constant 64 : index
        %get3A_326 = tpu.vector_load %arg10[%get3A_324, %get3A_325] {strides = array<i32>} : memref<128x128xf32, #tpu.memory_space<vmem>>, vector<1x16xf32>,
        %get3A_327 = vector.shape_cast %get3A_326 : vector<1x16xf32> to vector<16xf32>
        %mul3A_328 = arith.constant 11.3137083 : f32
        %mul3A_329 = vector.broadcast %mul3A_328 : f32 to vector<16xf32>
        %mul3A_330 = arith.mulf %get3A_327, %mul3A_329 : vector<16xf32>
        %mul3A_331 = arith.constant 2 : i32
        %mul3A_332 = arith.muli %mul3A_331, %scan3A_241 : i32
        %add3A_333 = arith.constant 0 : i32
        %add3A_334 = arith.addi %mul3A_332, %add3A_333 : i32
        %swap3A_335 = arith.index_cast %add3A_334 : i32 to index
        %swap3A_336 = arith.constant 64 : index
        %swap3A_337 = tpu.vector_load %arg10[%swap3A_335, %swap3A_336] {strides = array<i32>} : memref<128x128xf32, #tpu.memory_space<vmem>>, vector<1x16xf32>,
        %swap3A_338 = vector.shape_cast %swap3A_337 : vector<1x16xf32> to vector<16xf32>
        %swap3A_339 = vector.shape_cast %mul3A_330 : vector<16xf32> to vector<1x16xf32>
        tpu.vector_store %arg10[%swap3A_335, %swap3A_336], %swap3A_339 {strides = array<i32>} : memref<128x128xf32, #tpu.memory_space<vmem>>, vector<1x16xf32>,
        %mul3A_340 = arith.constant 2 : i32
        %mul3A_341 = arith.muli %mul3A_340, %scan3A_241 : i32
        %add3A_342 = arith.constant 0 : i32
        %add3A_343 = arith.addi %mul3A_341, %add3A_342 : i32
        %get3A_344 = arith.index_cast %add3A_343 : i32 to index
        %get3A_345 = arith.constant 80 : index
        %get3A_346 = tpu.vector_load %arg10[%get3A_344, %get3A_345] {strides = array<i32>} : memref<128x128xf32, #tpu.memory_space<vmem>>, vector<1x16xf32>,
        %get3A_347 = vector.shape_cast %get3A_346 : vector<1x16xf32> to vector<16xf32>
        %mul3A_348 = arith.constant 11.3137083 : f32
        %mul3A_349 = vector.broadcast %mul3A_348 : f32 to vector<16xf32>
        %mul3A_350 = arith.mulf %get3A_347, %mul3A_349 : vector<16xf32>
        %mul3A_351 = arith.constant 2 : i32
        %mul3A_352 = arith.muli %mul3A_351, %scan3A_241 : i32
        %add3A_353 = arith.constant 0 : i32
        %add3A_354 = arith.addi %mul3A_352, %add3A_353 : i32
        %swap3A_355 = arith.index_cast %add3A_354 : i32 to index
        %swap3A_356 = arith.constant 80 : index
        %swap3A_357 = tpu.vector_load %arg10[%swap3A_355, %swap3A_356] {strides = array<i32>} : memref<128x128xf32, #tpu.memory_space<vmem>>, vector<1x16xf32>,
        %swap3A_358 = vector.shape_cast %swap3A_357 : vector<1x16xf32> to vector<16xf32>
        %swap3A_359 = vector.shape_cast %mul3A_350 : vector<16xf32> to vector<1x16xf32>
        tpu.vector_store %arg10[%swap3A_355, %swap3A_356], %swap3A_359 {strides = array<i32>} : memref<128x128xf32, #tpu.memory_space<vmem>>, vector<1x16xf32>,
        %mul3A_360 = arith.constant 2 : i32
        %mul3A_361 = arith.muli %mul3A_360, %scan3A_241 : i32
        %add3A_362 = arith.constant 0 : i32
        %add3A_363 = arith.addi %mul3A_361, %add3A_362 : i32
        %get3A_364 = arith.index_cast %add3A_363 : i32 to index
        %get3A_365 = arith.constant 96 : index
        %get3A_366 = tpu.vector_load %arg10[%get3A_364, %get3A_365] {strides = array<i32>} : memref<128x128xf32, #tpu.memory_space<vmem>>, vector<1x16xf32>,
        %get3A_367 = vector.shape_cast %get3A_366 : vector<1x16xf32> to vector<16xf32>
        %mul3A_368 = arith.constant 11.3137083 : f32
        %mul3A_369 = vector.broadcast %mul3A_368 : f32 to vector<16xf32>
        %mul3A_370 = arith.mulf %get3A_367, %mul3A_369 : vector<16xf32>
        %mul3A_371 = arith.constant 2 : i32
        %mul3A_372 = arith.muli %mul3A_371, %scan3A_241 : i32
        %add3A_373 = arith.constant 0 : i32
        %add3A_374 = arith.addi %mul3A_372, %add3A_373 : i32
        %swap3A_375 = arith.index_cast %add3A_374 : i32 to index
        %swap3A_376 = arith.constant 96 : index
        %swap3A_377 = tpu.vector_load %arg10[%swap3A_375, %swap3A_376] {strides = array<i32>} : memref<128x128xf32, #tpu.memory_space<vmem>>, vector<1x16xf32>,
        %swap3A_378 = vector.shape_cast %swap3A_377 : vector<1x16xf32> to vector<16xf32>
        %swap3A_379 = vector.shape_cast %mul3A_370 : vector<16xf32> to vector<1x16xf32>
        tpu.vector_store %arg10[%swap3A_375, %swap3A_376], %swap3A_379 {strides = array<i32>} : memref<128x128xf32, #tpu.memory_space<vmem>>, vector<1x16xf32>,
        %mul3A_380 = arith.constant 2 : i32
        %mul3A_381 = arith.muli %mul3A_380, %scan3A_241 : i32
        %add3A_382 = arith.constant 0 : i32
        %add3A_383 = arith.addi %mul3A_381, %add3A_382 : i32
        %get3A_384 = arith.index_cast %add3A_383 : i32 to index
        %get3A_385 = arith.constant 112 : index
        %get3A_386 = tpu.vector_load %arg10[%get3A_384, %get3A_385] {strides = array<i32>} : memref<128x128xf32, #tpu.memory_space<vmem>>, vector<1x16xf32>,
        %get3A_387 = vector.shape_cast %get3A_386 : vector<1x16xf32> to vector<16xf32>
        %mul3A_388 = arith.constant 11.3137083 : f32
        %mul3A_389 = vector.broadcast %mul3A_388 : f32 to vector<16xf32>
        %mul3A_390 = arith.mulf %get3A_387, %mul3A_389 : vector<16xf32>
        %mul3A_391 = arith.constant 2 : i32
        %mul3A_392 = arith.muli %mul3A_391, %scan3A_241 : i32
        %add3A_393 = arith.constant 0 : i32
        %add3A_394 = arith.addi %mul3A_392, %add3A_393 : i32
        %swap3A_395 = arith.index_cast %add3A_394 : i32 to index
        %swap3A_396 = arith.constant 112 : index
        %swap3A_397 = tpu.vector_load %arg10[%swap3A_395, %swap3A_396] {strides = array<i32>} : memref<128x128xf32, #tpu.memory_space<vmem>>, vector<1x16xf32>,
        %swap3A_398 = vector.shape_cast %swap3A_397 : vector<1x16xf32> to vector<16xf32>
        %swap3A_399 = vector.shape_cast %mul3A_390 : vector<16xf32> to vector<1x16xf32>
        tpu.vector_store %arg10[%swap3A_395, %swap3A_396], %swap3A_399 {strides = array<i32>} : memref<128x128xf32, #tpu.memory_space<vmem>>, vector<1x16xf32>,
        %mul3A_400 = arith.constant 2 : i32
        %mul3A_401 = arith.muli %mul3A_400, %scan3A_241 : i32
        %add3A_402 = arith.constant 1 : i32
        %add3A_403 = arith.addi %mul3A_401, %add3A_402 : i32
        %get3A_404 = arith.index_cast %add3A_403 : i32 to index
        %get3A_405 = arith.constant 0 : index
        %get3A_406 = tpu.vector_load %arg10[%get3A_404, %get3A_405] {strides = array<i32>} : memref<128x128xf32, #tpu.memory_space<vmem>>, vector<1x16xf32>,
        %get3A_407 = vector.shape_cast %get3A_406 : vector<1x16xf32> to vector<16xf32>
        %mul3A_408 = arith.constant 11.3137083 : f32
        %mul3A_409 = vector.broadcast %mul3A_408 : f32 to vector<16xf32>
        %mul3A_410 = arith.mulf %get3A_407, %mul3A_409 : vector<16xf32>
        %mul3A_411 = arith.constant 2 : i32
        %mul3A_412 = arith.muli %mul3A_411, %scan3A_241 : i32
        %add3A_413 = arith.constant 1 : i32
        %add3A_414 = arith.addi %mul3A_412, %add3A_413 : i32
        %swap3A_415 = arith.index_cast %add3A_414 : i32 to index
        %swap3A_416 = arith.constant 0 : index
        %swap3A_417 = tpu.vector_load %arg10[%swap3A_415, %swap3A_416] {strides = array<i32>} : memref<128x128xf32, #tpu.memory_space<vmem>>, vector<1x16xf32>,
        %swap3A_418 = vector.shape_cast %swap3A_417 : vector<1x16xf32> to vector<16xf32>
        %swap3A_419 = vector.shape_cast %mul3A_410 : vector<16xf32> to vector<1x16xf32>
        tpu.vector_store %arg10[%swap3A_415, %swap3A_416], %swap3A_419 {strides = array<i32>} : memref<128x128xf32, #tpu.memory_space<vmem>>, vector<1x16xf32>,
        %mul3A_420 = arith.constant 2 : i32
        %mul3A_421 = arith.muli %mul3A_420, %scan3A_241 : i32
        %add3A_422 = arith.constant 1 : i32
        %add3A_423 = arith.addi %mul3A_421, %add3A_422 : i32
        %get3A_424 = arith.index_cast %add3A_423 : i32 to index
        %get3A_425 = arith.constant 16 : index
        %get3A_426 = tpu.vector_load %arg10[%get3A_424, %get3A_425] {strides = array<i32>} : memref<128x128xf32, #tpu.memory_space<vmem>>, vector<1x16xf32>,
        %get3A_427 = vector.shape_cast %get3A_426 : vector<1x16xf32> to vector<16xf32>
        %mul3A_428 = arith.constant 11.3137083 : f32
        %mul3A_429 = vector.broadcast %mul3A_428 : f32 to vector<16xf32>
        %mul3A_430 = arith.mulf %get3A_427, %mul3A_429 : vector<16xf32>
        %mul3A_431 = arith.constant 2 : i32
        %mul3A_432 = arith.muli %mul3A_431, %scan3A_241 : i32
        %add3A_433 = arith.constant 1 : i32
        %add3A_434 = arith.addi %mul3A_432, %add3A_433 : i32
        %swap3A_435 = arith.index_cast %add3A_434 : i32 to index
        %swap3A_436 = arith.constant 16 : index
        %swap3A_437 = tpu.vector_load %arg10[%swap3A_435, %swap3A_436] {strides = array<i32>} : memref<128x128xf32, #tpu.memory_space<vmem>>, vector<1x16xf32>,
        %swap3A_438 = vector.shape_cast %swap3A_437 : vector<1x16xf32> to vector<16xf32>
        %swap3A_439 = vector.shape_cast %mul3A_430 : vector<16xf32> to vector<1x16xf32>
        tpu.vector_store %arg10[%swap3A_435, %swap3A_436], %swap3A_439 {strides = array<i32>} : memref<128x128xf32, #tpu.memory_space<vmem>>, vector<1x16xf32>,
        %mul3A_440 = arith.constant 2 : i32
        %mul3A_441 = arith.muli %mul3A_440, %scan3A_241 : i32
        %add3A_442 = arith.constant 1 : i32
        %add3A_443 = arith.addi %mul3A_441, %add3A_442 : i32
        %get3A_444 = arith.index_cast %add3A_443 : i32 to index
        %get3A_445 = arith.constant 32 : index
        %get3A_446 = tpu.vector_load %arg10[%get3A_444, %get3A_445] {strides = array<i32>} : memref<128x128xf32, #tpu.memory_space<vmem>>, vector<1x16xf32>,
        %get3A_447 = vector.shape_cast %get3A_446 : vector<1x16xf32> to vector<16xf32>
        %mul3A_448 = arith.constant 11.3137083 : f32
        %mul3A_449 = vector.broadcast %mul3A_448 : f32 to vector<16xf32>
        %mul3A_450 = arith.mulf %get3A_447, %mul3A_449 : vector<16xf32>
        %mul3A_451 = arith.constant 2 : i32
        %mul3A_452 = arith.muli %mul3A_451, %scan3A_241 : i32
        %add3A_453 = arith.constant 1 : i32
        %add3A_454 = arith.addi %mul3A_452, %add3A_453 : i32
        %swap3A_455 = arith.index_cast %add3A_454 : i32 to index
        %swap3A_456 = arith.constant 32 : index
        %swap3A_457 = tpu.vector_load %arg10[%swap3A_455, %swap3A_456] {strides = array<i32>} : memref<128x128xf32, #tpu.memory_space<vmem>>, vector<1x16xf32>,
        %swap3A_458 = vector.shape_cast %swap3A_457 : vector<1x16xf32> to vector<16xf32>
        %swap3A_459 = vector.shape_cast %mul3A_450 : vector<16xf32> to vector<1x16xf32>
        tpu.vector_store %arg10[%swap3A_455, %swap3A_456], %swap3A_459 {strides = array<i32>} : memref<128x128xf32, #tpu.memory_space<vmem>>, vector<1x16xf32>,
        %mul3A_460 = arith.constant 2 : i32
        %mul3A_461 = arith.muli %mul3A_460, %scan3A_241 : i32
        %add3A_462 = arith.constant 1 : i32
        %add3A_463 = arith.addi %mul3A_461, %add3A_462 : i32
        %get3A_464 = arith.index_cast %add3A_463 : i32 to index
        %get3A_465 = arith.constant 48 : index
        %get3A_466 = tpu.vector_load %arg10[%get3A_464, %get3A_465] {strides = array<i32>} : memref<128x128xf32, #tpu.memory_space<vmem>>, vector<1x16xf32>,
        %get3A_467 = vector.shape_cast %get3A_466 : vector<1x16xf32> to vector<16xf32>
        %mul3A_468 = arith.constant 11.3137083 : f32
        %mul3A_469 = vector.broadcast %mul3A_468 : f32 to vector<16xf32>
        %mul3A_470 = arith.mulf %get3A_467, %mul3A_469 : vector<16xf32>
        %mul3A_471 = arith.constant 2 : i32
        %mul3A_472 = arith.muli %mul3A_471, %scan3A_241 : i32
        %add3A_473 = arith.constant 1 : i32
        %add3A_474 = arith.addi %mul3A_472, %add3A_473 : i32
        %swap3A_475 = arith.index_cast %add3A_474 : i32 to index
        %swap3A_476 = arith.constant 48 : index
        %swap3A_477 = tpu.vector_load %arg10[%swap3A_475, %swap3A_476] {strides = array<i32>} : memref<128x128xf32, #tpu.memory_space<vmem>>, vector<1x16xf32>,
        %swap3A_478 = vector.shape_cast %swap3A_477 : vector<1x16xf32> to vector<16xf32>
        %swap3A_479 = vector.shape_cast %mul3A_470 : vector<16xf32> to vector<1x16xf32>
        tpu.vector_store %arg10[%swap3A_475, %swap3A_476], %swap3A_479 {strides = array<i32>} : memref<128x128xf32, #tpu.memory_space<vmem>>, vector<1x16xf32>,
        %mul3A_480 = arith.constant 2 : i32
        %mul3A_481 = arith.muli %mul3A_480, %scan3A_241 : i32
        %add3A_482 = arith.constant 1 : i32
        %add3A_483 = arith.addi %mul3A_481, %add3A_482 : i32
        %get3A_484 = arith.index_cast %add3A_483 : i32 to index
        %get3A_485 = arith.constant 64 : index
        %get3A_486 = tpu.vector_load %arg10[%get3A_484, %get3A_485] {strides = array<i32>} : memref<128x128xf32, #tpu.memory_space<vmem>>, vector<1x16xf32>,
        %get3A_487 = vector.shape_cast %get3A_486 : vector<1x16xf32> to vector<16xf32>
        %mul3A_488 = arith.constant 11.3137083 : f32
        %mul3A_489 = vector.broadcast %mul3A_488 : f32 to vector<16xf32>
        %mul3A_490 = arith.mulf %get3A_487, %mul3A_489 : vector<16xf32>
        %mul3A_491 = arith.constant 2 : i32
        %mul3A_492 = arith.muli %mul3A_491, %scan3A_241 : i32
        %add3A_493 = arith.constant 1 : i32
        %add3A_494 = arith.addi %mul3A_492, %add3A_493 : i32
        %swap3A_495 = arith.index_cast %add3A_494 : i32 to index
        %swap3A_496 = arith.constant 64 : index
        %swap3A_497 = tpu.vector_load %arg10[%swap3A_495, %swap3A_496] {strides = array<i32>} : memref<128x128xf32, #tpu.memory_space<vmem>>, vector<1x16xf32>,
        %swap3A_498 = vector.shape_cast %swap3A_497 : vector<1x16xf32> to vector<16xf32>
        %swap3A_499 = vector.shape_cast %mul3A_490 : vector<16xf32> to vector<1x16xf32>
        tpu.vector_store %arg10[%swap3A_495, %swap3A_496], %swap3A_499 {strides = array<i32>} : memref<128x128xf32, #tpu.memory_space<vmem>>, vector<1x16xf32>,
        %mul3A_500 = arith.constant 2 : i32
        %mul3A_501 = arith.muli %mul3A_500, %scan3A_241 : i32
        %add3A_502 = arith.constant 1 : i32
        %add3A_503 = arith.addi %mul3A_501, %add3A_502 : i32
        %get3A_504 = arith.index_cast %add3A_503 : i32 to index
        %get3A_505 = arith.constant 80 : index
        %get3A_506 = tpu.vector_load %arg10[%get3A_504, %get3A_505] {strides = array<i32>} : memref<128x128xf32, #tpu.memory_space<vmem>>, vector<1x16xf32>,
        %get3A_507 = vector.shape_cast %get3A_506 : vector<1x16xf32> to vector<16xf32>
        %mul3A_508 = arith.constant 11.3137083 : f32
        %mul3A_509 = vector.broadcast %mul3A_508 : f32 to vector<16xf32>
        %mul3A_510 = arith.mulf %get3A_507, %mul3A_509 : vector<16xf32>
        %mul3A_511 = arith.constant 2 : i32
        %mul3A_512 = arith.muli %mul3A_511, %scan3A_241 : i32
        %add3A_513 = arith.constant 1 : i32
        %add3A_514 = arith.addi %mul3A_512, %add3A_513 : i32
        %swap3A_515 = arith.index_cast %add3A_514 : i32 to index
        %swap3A_516 = arith.constant 80 : index
        %swap3A_517 = tpu.vector_load %arg10[%swap3A_515, %swap3A_516] {strides = array<i32>} : memref<128x128xf32, #tpu.memory_space<vmem>>, vector<1x16xf32>,
        %swap3A_518 = vector.shape_cast %swap3A_517 : vector<1x16xf32> to vector<16xf32>
        %swap3A_519 = vector.shape_cast %mul3A_510 : vector<16xf32> to vector<1x16xf32>
        tpu.vector_store %arg10[%swap3A_515, %swap3A_516], %swap3A_519 {strides = array<i32>} : memref<128x128xf32, #tpu.memory_space<vmem>>, vector<1x16xf32>,
        %mul3A_520 = arith.constant 2 : i32
        %mul3A_521 = arith.muli %mul3A_520, %scan3A_241 : i32
        %add3A_522 = arith.constant 1 : i32
        %add3A_523 = arith.addi %mul3A_521, %add3A_522 : i32
        %get3A_524 = arith.index_cast %add3A_523 : i32 to index
        %get3A_525 = arith.constant 96 : index
        %get3A_526 = tpu.vector_load %arg10[%get3A_524, %get3A_525] {strides = array<i32>} : memref<128x128xf32, #tpu.memory_space<vmem>>, vector<1x16xf32>,
        %get3A_527 = vector.shape_cast %get3A_526 : vector<1x16xf32> to vector<16xf32>
        %mul3A_528 = arith.constant 11.3137083 : f32
        %mul3A_529 = vector.broadcast %mul3A_528 : f32 to vector<16xf32>
        %mul3A_530 = arith.mulf %get3A_527, %mul3A_529 : vector<16xf32>
        %mul3A_531 = arith.constant 2 : i32
        %mul3A_532 = arith.muli %mul3A_531, %scan3A_241 : i32
        %add3A_533 = arith.constant 1 : i32
        %add3A_534 = arith.addi %mul3A_532, %add3A_533 : i32
        %swap3A_535 = arith.index_cast %add3A_534 : i32 to index
        %swap3A_536 = arith.constant 96 : index
        %swap3A_537 = tpu.vector_load %arg10[%swap3A_535, %swap3A_536] {strides = array<i32>} : memref<128x128xf32, #tpu.memory_space<vmem>>, vector<1x16xf32>,
        %swap3A_538 = vector.shape_cast %swap3A_537 : vector<1x16xf32> to vector<16xf32>
        %swap3A_539 = vector.shape_cast %mul3A_530 : vector<16xf32> to vector<1x16xf32>
        tpu.vector_store %arg10[%swap3A_535, %swap3A_536], %swap3A_539 {strides = array<i32>} : memref<128x128xf32, #tpu.memory_space<vmem>>, vector<1x16xf32>,
        %mul3A_540 = arith.constant 2 : i32
        %mul3A_541 = arith.muli %mul3A_540, %scan3A_241 : i32
        %add3A_542 = arith.constant 1 : i32
        %add3A_543 = arith.addi %mul3A_541, %add3A_542 : i32
        %get3A_544 = arith.index_cast %add3A_543 : i32 to index
        %get3A_545 = arith.constant 112 : index
        %get3A_546 = tpu.vector_load %arg10[%get3A_544, %get3A_545] {strides = array<i32>} : memref<128x128xf32, #tpu.memory_space<vmem>>, vector<1x16xf32>,
        %get3A_547 = vector.shape_cast %get3A_546 : vector<1x16xf32> to vector<16xf32>
        %mul3A_548 = arith.constant 11.3137083 : f32
        %mul3A_549 = vector.broadcast %mul3A_548 : f32 to vector<16xf32>
        %mul3A_550 = arith.mulf %get3A_547, %mul3A_549 : vector<16xf32>
        %mul3A_551 = arith.constant 2 : i32
        %mul3A_552 = arith.muli %mul3A_551, %scan3A_241 : i32
        %add3A_553 = arith.constant 1 : i32
        %add3A_554 = arith.addi %mul3A_552, %add3A_553 : i32
        %swap3A_555 = arith.index_cast %add3A_554 : i32 to index
        %swap3A_556 = arith.constant 112 : index
        %swap3A_557 = tpu.vector_load %arg10[%swap3A_555, %swap3A_556] {strides = array<i32>} : memref<128x128xf32, #tpu.memory_space<vmem>>, vector<1x16xf32>,
        %swap3A_558 = vector.shape_cast %swap3A_557 : vector<1x16xf32> to vector<16xf32>
        %swap3A_559 = vector.shape_cast %mul3A_550 : vector<16xf32> to vector<1x16xf32>
        tpu.vector_store %arg10[%swap3A_555, %swap3A_556], %swap3A_559 {strides = array<i32>} : memref<128x128xf32, #tpu.memory_space<vmem>>, vector<1x16xf32>,
      }
      %scan3A_229 = arith.constant 64 : i32
      %add3A_230 = arith.constant 4 : i32
      %add3A_231 = arith.addi %mul3A_88, %add3A_230 : i32
      %mul3A_232 = arith.constant 128 : i32
      %mul3A_233 = arith.muli %add3A_231, %mul3A_232 : i32
      %add3A_234 = arith.addi %mul3A_2, %mul3A_233 : i32
      %dma_start3A_235 = arith.constant 0 : i32
      %dma_start3A_236 = tpu.memref_slice %arg4[%add3A_234, %dma_start3A_235] : memref<819200x128xf32, #tpu.memory_space<hbm>> -> memref<128x128xf32, #tpu.memory_space<hbm>>
      %dma_start3A_237 = arith.constant 0 : i32
      %dma_start3A_238 = tpu.memref_slice %arg4[%add3A_234, %dma_start3A_237] : memref<819200x128xf32, #tpu.memory_space<hbm>> -> memref<128x128xf32, #tpu.memory_space<hbm>>
      tpu.enqueue_dma source(%arg10 : memref<128x128xf32, #tpu.memory_space<vmem>>) target(%dma_start3A_238 : memref<128x128xf32, #tpu.memory_space<hbm>>) target_semaphore(%arg20 : memref<!tpu.dma_semaphore, #tpu.memory_space<semaphore_mem>>)
      %lt3A = arith.constant 39 : i32
      %lt3A_239 = arith.cmpi slt, %scan3A_86, %lt3A : i32
      %convert_element_type3A = arith.extui %lt3A_239 : i1 to i32
      %cond3A = arith.constant 0 : i32
      %cond3A_240 = arith.cmpi ne, %convert_element_type3A, %cond3A : i32
      scf.if %cond3A_240 {
        %add3A_241 = arith.constant 0 : i32
        %add3A_242 = arith.addi %mul3A_88, %add3A_241 : i32
        %mul3A_243 = arith.constant 128 : i32
        %mul3A_244 = arith.muli %add3A_242, %mul3A_243 : i32
        %add3A_245 = arith.addi %mul3A_2, %mul3A_244 : i32
        %dma_wait3A_246 = arith.constant 0 : i32
        %dma_wait3A_247 = tpu.memref_slice %arg4[%add3A_245, %dma_wait3A_246] : memref<819200x128xf32, #tpu.memory_space<hbm>> -> memref<128x128xf32, #tpu.memory_space<hbm>>
        %dma_wait3A_248 = arith.constant 0 : i32
        %dma_wait3A_249 = tpu.memref_slice %arg4[%add3A_245, %dma_wait3A_248] : memref<819200x128xf32, #tpu.memory_space<hbm>> -> memref<128x128xf32, #tpu.memory_space<hbm>>
        tpu.wait_dma2 semaphore(%arg16 : memref<!tpu.dma_semaphore, #tpu.memory_space<semaphore_mem>>) src(%arg6 : memref<128x128xf32, #tpu.memory_space<vmem>>) dst(%dma_wait3A_249 : memref<128x128xf32, #tpu.memory_space<hbm>>)
        %add3A_250 = arith.constant 5 : i32
        %add3A_251 = arith.addi %mul3A_88, %add3A_250 : i32
        %add3A_252 = arith.constant 0 : i32
        %add3A_253 = arith.addi %add3A_251, %add3A_252 : i32
        %mul3A_254 = arith.constant 1 : i32
        %mul3A_255 = arith.muli %mul3A_254, %add3A_253 : i32
        %add3A_256 = arith.constant 0 : i32
        %add3A_257 = arith.addi %mul3A_255, %add3A_256 : i32
        %dma_start3A_258 = arith.constant 0 : i32
        %dma_start3A_259 = arith.constant 0 : i32
        %dma_start3A_260 = tpu.memref_slice %arg6[%dma_start3A_258, %dma_start3A_259] : memref<128x128xf32, #tpu.memory_space<vmem>> -> memref<128x128xf32, #tpu.memory_space<vmem>>
        %dma_start3A_261 = arith.constant 0 : i32
        %dma_start3A_262 = tpu.memref_slice %arg5[%add3A_257, %dma_start3A_261] : memref<200x128xi32, #tpu.memory_space<vmem>> -> memref<1x128xi32, #tpu.memory_space<vmem>>
        %dma_start3A_263 = tpu.memref_squeeze %dma_start3A_262 : memref<1x128xi32, #tpu.memory_space<vmem>> -> memref<128xi32, #tpu.memory_space<vmem>>
        %dma_start3A_264 = arith.constant 0 : i32
        %dma_start3A_265 = arith.constant 0 : i32
        %dma_start3A_266 = tpu.memref_slice %arg2[%dma_start3A_264, %dma_start3A_265] : memref<100000x128xf32, #tpu.memory_space<hbm>> -> memref<100000x128xf32, #tpu.memory_space<hbm>>
        tpu.enqueue_indirect_dma source(%dma_start3A_266 : memref<100000x128xf32, #tpu.memory_space<hbm>>) target(%dma_start3A_260 : memref<128x128xf32, #tpu.memory_space<vmem>>) offsets(%dma_start3A_263 : memref<128xi32, #tpu.memory_space<vmem>>) semaphore(%arg11 : memref<!tpu.dma_semaphore, #tpu.memory_space<semaphore_mem>>)
        %add3A_267 = arith.constant 1 : i32
        %add3A_268 = arith.addi %mul3A_88, %add3A_267 : i32
        %mul3A_269 = arith.constant 128 : i32
        %mul3A_270 = arith.muli %add3A_268, %mul3A_269 : i32
        %add3A_271 = arith.addi %mul3A_2, %mul3A_270 : i32
        %dma_wait3A_272 = arith.constant 0 : i32
        %dma_wait3A_273 = tpu.memref_slice %arg4[%add3A_271, %dma_wait3A_272] : memref<819200x128xf32, #tpu.memory_space<hbm>> -> memref<128x128xf32, #tpu.memory_space<hbm>>
        %dma_wait3A_274 = arith.constant 0 : i32
        %dma_wait3A_275 = tpu.memref_slice %arg4[%add3A_271, %dma_wait3A_274] : memref<819200x128xf32, #tpu.memory_space<hbm>> -> memref<128x128xf32, #tpu.memory_space<hbm>>
        tpu.wait_dma2 semaphore(%arg17 : memref<!tpu.dma_semaphore, #tpu.memory_space<semaphore_mem>>) src(%arg7 : memref<128x128xf32, #tpu.memory_space<vmem>>) dst(%dma_wait3A_275 : memref<128x128xf32, #tpu.memory_space<hbm>>)
        %add3A_276 = arith.constant 5 : i32
        %add3A_277 = arith.addi %mul3A_88, %add3A_276 : i32
        %add3A_278 = arith.constant 1 : i32
        %add3A_279 = arith.addi %add3A_277, %add3A_278 : i32
        %mul3A_280 = arith.constant 1 : i32
        %mul3A_281 = arith.muli %mul3A_280, %add3A_279 : i32
        %add3A_282 = arith.constant 0 : i32
        %add3A_283 = arith.addi %mul3A_281, %add3A_282 : i32
        %dma_start3A_284 = arith.constant 0 : i32
        %dma_start3A_285 = arith.constant 0 : i32
        %dma_start3A_286 = tpu.memref_slice %arg7[%dma_start3A_284, %dma_start3A_285] : memref<128x128xf32, #tpu.memory_space<vmem>> -> memref<128x128xf32, #tpu.memory_space<vmem>>
        %dma_start3A_287 = arith.constant 0 : i32
        %dma_start3A_288 = tpu.memref_slice %arg5[%add3A_283, %dma_start3A_287] : memref<200x128xi32, #tpu.memory_space<vmem>> -> memref<1x128xi32, #tpu.memory_space<vmem>>
        %dma_start3A_289 = tpu.memref_squeeze %dma_start3A_288 : memref<1x128xi32, #tpu.memory_space<vmem>> -> memref<128xi32, #tpu.memory_space<vmem>>
        %dma_start3A_290 = arith.constant 0 : i32
        %dma_start3A_291 = arith.constant 0 : i32
        %dma_start3A_292 = tpu.memref_slice %arg2[%dma_start3A_290, %dma_start3A_291] : memref<100000x128xf32, #tpu.memory_space<hbm>> -> memref<100000x128xf32, #tpu.memory_space<hbm>>
        tpu.enqueue_indirect_dma source(%dma_start3A_292 : memref<100000x128xf32, #tpu.memory_space<hbm>>) target(%dma_start3A_286 : memref<128x128xf32, #tpu.memory_space<vmem>>) offsets(%dma_start3A_289 : memref<128xi32, #tpu.memory_space<vmem>>) semaphore(%arg12 : memref<!tpu.dma_semaphore, #tpu.memory_space<semaphore_mem>>)
        %add3A_293 = arith.constant 2 : i32
        %add3A_294 = arith.addi %mul3A_88, %add3A_293 : i32
        %mul3A_295 = arith.constant 128 : i32
        %mul3A_296 = arith.muli %add3A_294, %mul3A_295 : i32
        %add3A_297 = arith.addi %mul3A_2, %mul3A_296 : i32
        %dma_wait3A_298 = arith.constant 0 : i32
        %dma_wait3A_299 = tpu.memref_slice %arg4[%add3A_297, %dma_wait3A_298] : memref<819200x128xf32, #tpu.memory_space<hbm>> -> memref<128x128xf32, #tpu.memory_space<hbm>>
        %dma_wait3A_300 = arith.constant 0 : i32
        %dma_wait3A_301 = tpu.memref_slice %arg4[%add3A_297, %dma_wait3A_300] : memref<819200x128xf32, #tpu.memory_space<hbm>> -> memref<128x128xf32, #tpu.memory_space<hbm>>
        tpu.wait_dma2 semaphore(%arg18 : memref<!tpu.dma_semaphore, #tpu.memory_space<semaphore_mem>>) src(%arg8 : memref<128x128xf32, #tpu.memory_space<vmem>>) dst(%dma_wait3A_301 : memref<128x128xf32, #tpu.memory_space<hbm>>)
        %add3A_302 = arith.constant 5 : i32
        %add3A_303 = arith.addi %mul3A_88, %add3A_302 : i32
        %add3A_304 = arith.constant 2 : i32
        %add3A_305 = arith.addi %add3A_303, %add3A_304 : i32
        %mul3A_306 = arith.constant 1 : i32
        %mul3A_307 = arith.muli %mul3A_306, %add3A_305 : i32
        %add3A_308 = arith.constant 0 : i32
        %add3A_309 = arith.addi %mul3A_307, %add3A_308 : i32
        %dma_start3A_310 = arith.constant 0 : i32
        %dma_start3A_311 = arith.constant 0 : i32
        %dma_start3A_312 = tpu.memref_slice %arg8[%dma_start3A_310, %dma_start3A_311] : memref<128x128xf32, #tpu.memory_space<vmem>> -> memref<128x128xf32, #tpu.memory_space<vmem>>
        %dma_start3A_313 = arith.constant 0 : i32
        %dma_start3A_314 = tpu.memref_slice %arg5[%add3A_309, %dma_start3A_313] : memref<200x128xi32, #tpu.memory_space<vmem>> -> memref<1x128xi32, #tpu.memory_space<vmem>>
        %dma_start3A_315 = tpu.memref_squeeze %dma_start3A_314 : memref<1x128xi32, #tpu.memory_space<vmem>> -> memref<128xi32, #tpu.memory_space<vmem>>
        %dma_start3A_316 = arith.constant 0 : i32
        %dma_start3A_317 = arith.constant 0 : i32
        %dma_start3A_318 = tpu.memref_slice %arg2[%dma_start3A_316, %dma_start3A_317] : memref<100000x128xf32, #tpu.memory_space<hbm>> -> memref<100000x128xf32, #tpu.memory_space<hbm>>
        tpu.enqueue_indirect_dma source(%dma_start3A_318 : memref<100000x128xf32, #tpu.memory_space<hbm>>) target(%dma_start3A_312 : memref<128x128xf32, #tpu.memory_space<vmem>>) offsets(%dma_start3A_315 : memref<128xi32, #tpu.memory_space<vmem>>) semaphore(%arg13 : memref<!tpu.dma_semaphore, #tpu.memory_space<semaphore_mem>>)
        %add3A_319 = arith.constant 3 : i32
        %add3A_320 = arith.addi %mul3A_88, %add3A_319 : i32
        %mul3A_321 = arith.constant 128 : i32
        %mul3A_322 = arith.muli %add3A_320, %mul3A_321 : i32
        %add3A_323 = arith.addi %mul3A_2, %mul3A_322 : i32
        %dma_wait3A_324 = arith.constant 0 : i32
        %dma_wait3A_325 = tpu.memref_slice %arg4[%add3A_323, %dma_wait3A_324] : memref<819200x128xf32, #tpu.memory_space<hbm>> -> memref<128x128xf32, #tpu.memory_space<hbm>>
        %dma_wait3A_326 = arith.constant 0 : i32
        %dma_wait3A_327 = tpu.memref_slice %arg4[%add3A_323, %dma_wait3A_326] : memref<819200x128xf32, #tpu.memory_space<hbm>> -> memref<128x128xf32, #tpu.memory_space<hbm>>
        tpu.wait_dma2 semaphore(%arg19 : memref<!tpu.dma_semaphore, #tpu.memory_space<semaphore_mem>>) src(%arg9 : memref<128x128xf32, #tpu.memory_space<vmem>>) dst(%dma_wait3A_327 : memref<128x128xf32, #tpu.memory_space<hbm>>)
        %add3A_328 = arith.constant 5 : i32
        %add3A_329 = arith.addi %mul3A_88, %add3A_328 : i32
        %add3A_330 = arith.constant 3 : i32
        %add3A_331 = arith.addi %add3A_329, %add3A_330 : i32
        %mul3A_332 = arith.constant 1 : i32
        %mul3A_333 = arith.muli %mul3A_332, %add3A_331 : i32
        %add3A_334 = arith.constant 0 : i32
        %add3A_335 = arith.addi %mul3A_333, %add3A_334 : i32
        %dma_start3A_336 = arith.constant 0 : i32
        %dma_start3A_337 = arith.constant 0 : i32
        %dma_start3A_338 = tpu.memref_slice %arg9[%dma_start3A_336, %dma_start3A_337] : memref<128x128xf32, #tpu.memory_space<vmem>> -> memref<128x128xf32, #tpu.memory_space<vmem>>
        %dma_start3A_339 = arith.constant 0 : i32
        %dma_start3A_340 = tpu.memref_slice %arg5[%add3A_335, %dma_start3A_339] : memref<200x128xi32, #tpu.memory_space<vmem>> -> memref<1x128xi32, #tpu.memory_space<vmem>>
        %dma_start3A_341 = tpu.memref_squeeze %dma_start3A_340 : memref<1x128xi32, #tpu.memory_space<vmem>> -> memref<128xi32, #tpu.memory_space<vmem>>
        %dma_start3A_342 = arith.constant 0 : i32
        %dma_start3A_343 = arith.constant 0 : i32
        %dma_start3A_344 = tpu.memref_slice %arg2[%dma_start3A_342, %dma_start3A_343] : memref<100000x128xf32, #tpu.memory_space<hbm>> -> memref<100000x128xf32, #tpu.memory_space<hbm>>
        tpu.enqueue_indirect_dma source(%dma_start3A_344 : memref<100000x128xf32, #tpu.memory_space<hbm>>) target(%dma_start3A_338 : memref<128x128xf32, #tpu.memory_space<vmem>>) offsets(%dma_start3A_341 : memref<128xi32, #tpu.memory_space<vmem>>) semaphore(%arg14 : memref<!tpu.dma_semaphore, #tpu.memory_space<semaphore_mem>>)
        %add3A_345 = arith.constant 4 : i32
        %add3A_346 = arith.addi %mul3A_88, %add3A_345 : i32
        %mul3A_347 = arith.constant 128 : i32
        %mul3A_348 = arith.muli %add3A_346, %mul3A_347 : i32
        %add3A_349 = arith.addi %mul3A_2, %mul3A_348 : i32
        %dma_wait3A_350 = arith.constant 0 : i32
        %dma_wait3A_351 = tpu.memref_slice %arg4[%add3A_349, %dma_wait3A_350] : memref<819200x128xf32, #tpu.memory_space<hbm>> -> memref<128x128xf32, #tpu.memory_space<hbm>>
        %dma_wait3A_352 = arith.constant 0 : i32
        %dma_wait3A_353 = tpu.memref_slice %arg4[%add3A_349, %dma_wait3A_352] : memref<819200x128xf32, #tpu.memory_space<hbm>> -> memref<128x128xf32, #tpu.memory_space<hbm>>
        tpu.wait_dma2 semaphore(%arg20 : memref<!tpu.dma_semaphore, #tpu.memory_space<semaphore_mem>>) src(%arg10 : memref<128x128xf32, #tpu.memory_space<vmem>>) dst(%dma_wait3A_353 : memref<128x128xf32, #tpu.memory_space<hbm>>)
        %add3A_354 = arith.constant 5 : i32
        %add3A_355 = arith.addi %mul3A_88, %add3A_354 : i32
        %add3A_356 = arith.constant 4 : i32
        %add3A_357 = arith.addi %add3A_355, %add3A_356 : i32
        %mul3A_358 = arith.constant 1 : i32
        %mul3A_359 = arith.muli %mul3A_358, %add3A_357 : i32
        %add3A_360 = arith.constant 0 : i32
        %add3A_361 = arith.addi %mul3A_359, %add3A_360 : i32
        %dma_start3A_362 = arith.constant 0 : i32
        %dma_start3A_363 = arith.constant 0 : i32
        %dma_start3A_364 = tpu.memref_slice %arg10[%dma_start3A_362, %dma_start3A_363] : memref<128x128xf32, #tpu.memory_space<vmem>> -> memref<128x128xf32, #tpu.memory_space<vmem>>
        %dma_start3A_365 = arith.constant 0 : i32
        %dma_start3A_366 = tpu.memref_slice %arg5[%add3A_361, %dma_start3A_365] : memref<200x128xi32, #tpu.memory_space<vmem>> -> memref<1x128xi32, #tpu.memory_space<vmem>>
        %dma_start3A_367 = tpu.memref_squeeze %dma_start3A_366 : memref<1x128xi32, #tpu.memory_space<vmem>> -> memref<128xi32, #tpu.memory_space<vmem>>
        %dma_start3A_368 = arith.constant 0 : i32
        %dma_start3A_369 = arith.constant 0 : i32
        %dma_start3A_370 = tpu.memref_slice %arg2[%dma_start3A_368, %dma_start3A_369] : memref<100000x128xf32, #tpu.memory_space<hbm>> -> memref<100000x128xf32, #tpu.memory_space<hbm>>
        tpu.enqueue_indirect_dma source(%dma_start3A_370 : memref<100000x128xf32, #tpu.memory_space<hbm>>) target(%dma_start3A_364 : memref<128x128xf32, #tpu.memory_space<vmem>>) offsets(%dma_start3A_367 : memref<128xi32, #tpu.memory_space<vmem>>) semaphore(%arg15 : memref<!tpu.dma_semaphore, #tpu.memory_space<semaphore_mem>>)
      } else {
      }
    }
    %scan3A_56 = arith.constant 40 : i32
    %add3A_57 = arith.constant 24960 : i32
    %add3A_58 = arith.addi %mul3A_2, %add3A_57 : i32
    %dma_wait3A = arith.constant 0 : i32
    %dma_wait3A_59 = tpu.memref_slice %arg4[%add3A_58, %dma_wait3A] : memref<819200x128xf32, #tpu.memory_space<hbm>> -> memref<128x128xf32, #tpu.memory_space<hbm>>
    %dma_wait3A_60 = arith.constant 0 : i32
    %dma_wait3A_61 = tpu.memref_slice %arg4[%add3A_58, %dma_wait3A_60] : memref<819200x128xf32, #tpu.memory_space<hbm>> -> memref<128x128xf32, #tpu.memory_space<hbm>>
    tpu.wait_dma2 semaphore(%arg16 : memref<!tpu.dma_semaphore, #tpu.memory_space<semaphore_mem>>) src(%arg6 : memref<128x128xf32, #tpu.memory_space<vmem>>) dst(%dma_wait3A_61 : memref<128x128xf32, #tpu.memory_space<hbm>>)
    %add3A_62 = arith.constant 25088 : i32
    %add3A_63 = arith.addi %mul3A_2, %add3A_62 : i32
    %dma_wait3A_64 = arith.constant 0 : i32
    %dma_wait3A_65 = tpu.memref_slice %arg4[%add3A_63, %dma_wait3A_64] : memref<819200x128xf32, #tpu.memory_space<hbm>> -> memref<128x128xf32, #tpu.memory_space<hbm>>
    %dma_wait3A_66 = arith.constant 0 : i32
    %dma_wait3A_67 = tpu.memref_slice %arg4[%add3A_63, %dma_wait3A_66] : memref<819200x128xf32, #tpu.memory_space<hbm>> -> memref<128x128xf32, #tpu.memory_space<hbm>>
    tpu.wait_dma2 semaphore(%arg17 : memref<!tpu.dma_semaphore, #tpu.memory_space<semaphore_mem>>) src(%arg7 : memref<128x128xf32, #tpu.memory_space<vmem>>) dst(%dma_wait3A_67 : memref<128x128xf32, #tpu.memory_space<hbm>>)
    %add3A_68 = arith.constant 25216 : i32
    %add3A_69 = arith.addi %mul3A_2, %add3A_68 : i32
    %dma_wait3A_70 = arith.constant 0 : i32
    %dma_wait3A_71 = tpu.memref_slice %arg4[%add3A_69, %dma_wait3A_70] : memref<819200x128xf32, #tpu.memory_space<hbm>> -> memref<128x128xf32, #tpu.memory_space<hbm>>
    %dma_wait3A_72 = arith.constant 0 : i32
    %dma_wait3A_73 = tpu.memref_slice %arg4[%add3A_69, %dma_wait3A_72] : memref<819200x128xf32, #tpu.memory_space<hbm>> -> memref<128x128xf32, #tpu.memory_space<hbm>>
    tpu.wait_dma2 semaphore(%arg18 : memref<!tpu.dma_semaphore, #tpu.memory_space<semaphore_mem>>) src(%arg8 : memref<128x128xf32, #tpu.memory_space<vmem>>) dst(%dma_wait3A_73 : memref<128x128xf32, #tpu.memory_space<hbm>>)
    %add3A_74 = arith.constant 25344 : i32
    %add3A_75 = arith.addi %mul3A_2, %add3A_74 : i32
    %dma_wait3A_76 = arith.constant 0 : i32
    %dma_wait3A_77 = tpu.memref_slice %arg4[%add3A_75, %dma_wait3A_76] : memref<819200x128xf32, #tpu.memory_space<hbm>> -> memref<128x128xf32, #tpu.memory_space<hbm>>
    %dma_wait3A_78 = arith.constant 0 : i32
    %dma_wait3A_79 = tpu.memref_slice %arg4[%add3A_75, %dma_wait3A_78] : memref<819200x128xf32, #tpu.memory_space<hbm>> -> memref<128x128xf32, #tpu.memory_space<hbm>>
    tpu.wait_dma2 semaphore(%arg19 : memref<!tpu.dma_semaphore, #tpu.memory_space<semaphore_mem>>) src(%arg9 : memref<128x128xf32, #tpu.memory_space<vmem>>) dst(%dma_wait3A_79 : memref<128x128xf32, #tpu.memory_space<hbm>>)
    %add3A_80 = arith.constant 25472 : i32
    %add3A_81 = arith.addi %mul3A_2, %add3A_80 : i32
    %dma_wait3A_82 = arith.constant 0 : i32
    %dma_wait3A_83 = tpu.memref_slice %arg4[%add3A_81, %dma_wait3A_82] : memref<819200x128xf32, #tpu.memory_space<hbm>> -> memref<128x128xf32, #tpu.memory_space<hbm>>
    %dma_wait3A_84 = arith.constant 0 : i32
    %dma_wait3A_85 = tpu.memref_slice %arg4[%add3A_81, %dma_wait3A_84] : memref<819200x128xf32, #tpu.memory_space<hbm>> -> memref<128x128xf32, #tpu.memory_space<hbm>>
    tpu.wait_dma2 semaphore(%arg20 : memref<!tpu.dma_semaphore, #tpu.memory_space<semaphore_mem>>) src(%arg10 : memref<128x128xf32, #tpu.memory_space<vmem>>) dst(%dma_wait3A_85 : memref<128x128xf32, #tpu.memory_space<hbm>>)
    return
  }
}

</mosaic_0001>

<sc_bundles>
// kernel: kernel.3.cloned.1.call-start
scs
__scs_entry_jumppad:
0x0: {  	(pc) =	sbr.rel $0x88, $3  }
0x1: {  	(tag) =	ssettag $0x0;
	lr =	simm.s32 $0x1  }
0x2: {  	[smem:$0x3F9F] =	sst lr;
	_ =	strace $0xD0000000  }
0x3: {  	_ = 	snop  }
0x4: {  	_ = 	snop  }
0x5: {  	_ = 	snop  }
0x6: {  	_ = 	snop  }
0x7: {  	_ = 	snop  }
__scs_overlays_trampoline_lowered:
0x8: {  	[smem:$0x3FAE] =	sst s0  }
0x9: {  	[smem:$0x3FAF] =	sst s1  }
0xa: {  	[smem:$0x3FB0] =	sst s2  }
0xb: {  	[smem:$0x3FB1] =	sst s3  }
0xc: {  	[smem:$0x3FB2] =	sst s4  }
0xd: {  	[smem:$0x3FB3] =	sst s5  }
0xe: {  	[smem:$0x3FB4] =	sst s6  }
0xf: {  	[smem:$0x3FB5] =	sst s7  }
0x10: {  	[smem:$0x3FB6] =	sst s8  }
0x11: {  	[smem:$0x3FB7] =	sst s9;
	s0 =	simm.s32 @!p0 $0x0  }
0x12: {  	s1 =	sld [smem:$0x3F9D];
	s0 =	simm.s32 @p0 $0x1  }
0x13: {  	[smem:$0x3FB8] =	sst s0;
	s0 =	simm.s32 @!p1 $0x0  }
0x14: {  	s2 =	sld [smem:$0x3F9C];
	s0 =	simm.s32 @p1 $0x1  }
0x15: {  	[smem:$0x3FB9] =	sst s0;
	s0 =	simm.s32 @!p2 $0x0  }
0x16: {  	s3 =	sld [smem:$0x3FDB];
	s0 =	simm.s32 @p2 $0x1  }
0x17: {  	s4 =	simm.s32 $0x1BF5;
	[smem:$0x3FBB] =	sst s0  }
0x18: {  	s0 =	sld [smem:$0x3F9E];
	_ =	swait.ge [sflag:s4], $0x0  }
0x19: {  	s7 =	sld [smem:$0x3F9F]  }
0x1a: {  	s8 =	sadd.s32 $0xFFFFE003, lr  }
0x1b: {  	s9 =	sadd.s32 $0xFFFFFEF7, lr;
	s5 =	simm.s32 $0xFFFFFFFF;
	p2 =	slt.u32 s8, $0xFFFFF086  }
0x1c: {  	p1 =	slt.u32 s9, $0xF7A;
	s5 =	simm.s32 @!p2 $0x0  }
0x1d: {  	s5 =	simm.s32 @p1 $0x1;
	p0 =	seq.s32 s7, s2  }
0x1e: {  	s7 =	smul.u32 @!p0 $0xF7A, s2;
	p2 =	seq.s32 @!p0 s5, $0x0  }
0x1f: {  	s9 =	smul.u32 $0xF7A, s1;
	s8 =	simm.s32 @!p0 $0x1BF5;
	p2 =	por !p2, p0  }
0x20: {  	[sflag:s8] =	ssyncset.s32 @!p0 $0xFFFFF086;
	s6 =	sadd.s32 @!p0 s3, s7;
	s7 =	simm.s32 @!p0 $0x108  }
0x21: {  	s3 =	sadd.s32 s3, s9;
	s6 =	sadd.s32 @!p0 $0x88, s6;
	s7 =	simm.s32 @p2 $0x1082  }
0x22: {  	[simem:s7], [sflag:s8] =	dma.local @!p0 [hbm:s6], $0xF7A  }
0x23: {  	s9 =	sor.u32 $0xD0000000, s2;
	s6 =	simm.s32 $0x108;
	_ =	swait.ge @!p0 [sflag:s8], $0x0  }
0x24: {  	s3 =	sadd.s32 $0x88, s3;
	s6 =	simm.s32 @!p1 $0x1082;
	[sflag:s4] =	ssyncset.s32 $0xFFFFF086  }
0x25: {  	[simem:s6], [sflag:s4] =	dma.local [hbm:s3], $0xF7A  }
0x26: {  	[smem:$0x3F9F] =	sst s1;
	(tag) =	ssettag s2;
	_ =	strace s9  }
0x27: {  	s1 =	sld [smem:$0x3FAF]  }
0x28: {  	s2 =	sld [smem:$0x3FB0]  }
0x29: {  	s4 =	sld [smem:$0x3FB2]  }
0x2a: {  	p0 =	seq.s32 s5, $0x0;
	s5 =	sld [smem:$0x3FB3]  }
0x2b: {  	s6 =	sld [smem:$0x3FB4]  }
0x2c: {  	s7 =	sld [smem:$0x3FB5]  }
0x2d: {  	s3 =	simm.s32 $0x108;
	s8 =	sld [smem:$0x3FB6]  }
0x2e: {  	s3 =	simm.s32 @!p0 $0x1082;
	s9 =	sld [smem:$0x3FB7]  }
0x2f: {  	lr =	sadd.s32 s0, s3;
	s0 =	sld [smem:$0x3FAE]  }
0x30: {  	s3 =	sld [smem:$0x3FB1]  }
0x31: {  	[smem:$0x3FBA] =	sst s10  }
0x32: {  	s10 =	sld [smem:$0x3FB8];
	_ =	sdelay $0x3  }
0x33: {  	p0 =	seq.s32 s10, $0x1;
	s10 =	sld [smem:$0x3FBA];
	_ =	sdelay $0x3  }
0x34: {  	[smem:$0x3FBA] =	sst s10  }
0x35: {  	s10 =	sld [smem:$0x3FB9];
	_ =	sdelay $0x3  }
0x36: {  	p1 =	seq.s32 s10, $0x1;
	s10 =	sld [smem:$0x3FBA];
	_ =	sdelay $0x3  }
0x37: {  	[smem:$0x3FBA] =	sst s10  }
0x38: {  	s10 =	sld [smem:$0x3FBB]  }
0x39: {  	_ = 	snop;
	(pc) =	sbr.ind lr, $3  }
0x3a: {  	_ = 	snop  }
0x3b: {  	_ = 	snop  }
0x3c: {  	p2 =	seq.s32 s10, $0x1;
	s10 =	sld [smem:$0x3FBA]  }
0x3d: {  	_ =	shalt  }
0x3e: {  	_ =	shalt  }
0x3f: {  	_ =	shalt  }
0x40: {  	_ =	shalt  }
0x41: {  	_ =	shalt  }
0x42: {  	_ =	shalt  }
0x43: {  	_ =	shalt  }
0x44: {  	_ =	shalt  }
0x45: {  	_ =	shalt  }
0x46: {  	_ =	shalt  }
0x47: {  	_ =	shalt  }
0x48: {  	_ =	shalt  }
0x49: {  	_ =	shalt  }
0x4a: {  	_ =	shalt  }
0x4b: {  	_ =	shalt  }
0x4c: {  	_ =	shalt  }
0x4d: {  	_ =	shalt  }
0x4e: {  	_ =	shalt  }
0x4f: {  	_ =	shalt  }
0x50: {  	_ =	shalt  }
0x51: {  	_ =	shalt  }
0x52: {  	_ =	shalt  }
0x53: {  	_ =	shalt  }
0x54: {  	_ =	shalt  }
0x55: {  	_ =	shalt  }
0x56: {  	_ =	shalt  }
0x57: {  	_ =	shalt  }
0x58: {  	_ =	shalt  }
0x59: {  	_ =	shalt  }
0x5a: {  	_ =	shalt  }
0x5b: {  	_ =	shalt  }
0x5c: {  	_ =	shalt  }
0x5d: {  	_ =	shalt  }
0x5e: {  	_ =	shalt  }
0x5f: {  	_ =	shalt  }
0x60: {  	_ =	shalt  }
0x61: {  	_ =	shalt  }
0x62: {  	_ =	shalt  }
0x63: {  	_ =	shalt  }
0x64: {  	_ =	shalt  }
0x65: {  	_ =	shalt  }
0x66: {  	_ =	shalt  }
0x67: {  	_ =	shalt  }
0x68: {  	_ =	shalt  }
0x69: {  	_ =	shalt  }
0x6a: {  	_ =	shalt  }
0x6b: {  	_ =	shalt  }
0x6c: {  	_ =	shalt  }
0x6d: {  	_ =	shalt  }
0x6e: {  	_ =	shalt  }
0x6f: {  	_ =	shalt  }
0x70: {  	_ =	shalt  }
0x71: {  	_ =	shalt  }
0x72: {  	_ =	shalt  }
0x73: {  	_ =	shalt  }
0x74: {  	_ =	shalt  }
0x75: {  	_ =	shalt  }
0x76: {  	_ =	shalt  }
0x77: {  	_ =	shalt  }
0x78: {  	_ =	shalt  }
0x79: {  	_ =	shalt  }
0x7a: {  	_ =	shalt  }
0x7b: {  	_ =	shalt  }
0x7c: {  	_ =	shalt  }
0x7d: {  	_ =	shalt  }
0x7e: {  	_ =	shalt  }
0x7f: {  	_ =	shalt  }
0x80: {  	_ =	shalt  }
0x81: {  	_ =	shalt  }
0x82: {  	_ =	shalt  }
0x83: {  	_ =	shalt  }
0x84: {  	_ =	shalt  }
0x85: {  	_ =	shalt  }
0x86: {  	_ =	shalt  }
0x87: {  	_ =	shalt  }
.Lfunc_end0:
.L_simem_size_0:
called_computation_lowered:
.L_overlay_start_0:
0x88: {  	s2 =	sld [smem:$0x3FD9]  }
0x89: {  	s3 =	sld [smem:$0x3FFE];
	_ =	sdelay $0x1  }
0x8a: {  	s1 =	srdreg.scid  }
0x8b: {  	s0 =	sand.u32 $0x1, s1  }
0x8c: {  	s17 =	sshll.u32 s0, $0xA;
	s2 =	sadd.s32 s3, s2  }
0x8d: {  	s2 =	sadd.s32 s2, s17  }
0x8e: {  	[smem:$0x3FC6] =	sst s2  }
0x8f: {  	_ = 	snop  }
0x90: {  	s2 =	sld [smem:$0x3FC8]  }
0x91: {  	s18 =	sld [smem:$0x3FD0];
	(tm) =	ssettm $0x1  }
0x92: {  	s4 =	sld [smem:$0x3FFB];
	_ =	sdelay $0x3  }
0x93: {  	_ =	strace s4  }
0x94: {  	s4 =	sld [smem:$0x3FFC];
	_ =	sdelay $0x3  }
0x95: {  	_ =	strace s4  }
0x96: {  	s4 =	sld [smem:$0x3FFD];
	_ =	sdelay $0x3  }
0x97: {  	_ =	strace s4  }
0x98: {  	_ =	strace $0x8FFFFFFF  }
0x99: {  	s19 =	sld [smem:$0x3FDB];
	_ =	sdelay $0x1  }
0x9a: {  	s5 =	simm.s32 $_scs_section_size  }
0x9b: {  	s6 =	simm.s32 $_size__tile_overlayer_lowered;
	s7 =	simm.s32 $_tile_overlayer_lowered  }
0x9c: {  	s22 =	simm.s32 $0x1BFF;
	s21 =	sshll.u32 s7, $0x1;
	s4 =	sadd.s32 s5, s19  }
0x9d: {  	s8 =	simm.s32 $0x0;
	s20 =	sshll.u32 s6, $0x1;
	s6 =	sadd.s32 s21, s4  }
0x9e: {  	[timem:s8], [sflag:s22] =	dma.local [hbm:s6], s20  }
0x9f: {  	_ =	swait.ge [sflag:s22], s20  }
0xa0: {  	s5 =	ssub.s32 $0x0, s20;
	[sflag:s22] =	ssyncset.done $0x0  }
0xa1: {  	[sflag:s22] =	ssyncadd.s32 s5;
	_ =	sdelay $0x1  }
0xa2: {  	s23 =	simm.s32 $0x1B8B  }
0xa3: {  	_ =	swait.ge [sflag:s23], $0x1  }
0xa4: {  	[sflag:s23] =	ssyncset.done $0x0  }
0xa5: {  	s25 =	simm.s32 $0x1B8E;
	s24 =	sld [smem:$0x3FFE];
	[sflag:s23] =	ssyncadd.s32 $0xFFFFFFFF  }
0xa6: {  	s26 =	simm.s32 $execute0_lowered;
	[smem:$0x3FD2] =	sst s25  }
0xa7: {  	s6 =	sshll.u32 s26, $0x1;
	_ =	strace $0x80000046;
	[dreg:$0x1] =	wrdreg $0xFFFFFFFF  }
0xa8: {  	s28 =	simm.s32 $_size_execute0_lowered;
	s4 =	sadd.s32 s4, s6;
	[dreg:$0x0] =	wrdreg $0x0  }
0xa9: {  	s6 =	sshll.u32 s28, $0x1;
	[dreg:$0x2] =	wrdreg s4  }
0xaa: {  	[dreg:$0x3] =	wrdreg s6  }
0xab: {  	[dreg:$0x4] =	wrdreg $0xC0  }
0xac: {  	_ =	task [dreg:s8], $0x5FFFF  }
0xad: {  	[dreg:$0x1] =	wrdreg $0xFFFFFFFF  }
0xae: {  	[dreg:$0x0] =	wrdreg $0x60  }
0xaf: {  	[dreg:$0x2] =	wrdreg s2  }
0xb0: {  	[dreg:$0x3] =	wrdreg s24  }
0xb1: {  	[dreg:$0x4] =	wrdreg s18  }
0xb2: {  	[dreg:$0x5] =	wrdreg $0x9  }
0xb3: {  	_ =	task.clear_ibuf [dreg:s8], $0x6FFFF;
	_ =	strace $0x90000046  }
0xb4: {  	s29 =	simm.s32 $0x9;
	_ =	strace $0x80000048  }
0xb5: {  	_ =	swait.ge [sflag:s29], $0x1  }
0xb6: {  	[sflag:s29] =	ssyncadd.s32 $0xFFFFFFFF  }
0xb7: {  	_ =	strace $0x90000048  }
0xb8: {  	_ =	sfence  }
0xb9: {  	s30 =	sld [smem:$0x0];
	_ =	sdelay $0x2  }
0xba: {  	s31 =	sshll.u32 s1, $0xD;
	s1 =	sshrl.u32 s1, $0x2  }
0xbb: {  	s3 =	sand.u32 $0x4000, s31;
	s1 =	sadd.s32 s1, s30  }
0xbc: {  	s0 =	sor.u32 s3, s0;
	s1 =	sshll.u32 s1, $0x11  }
0xbd: {  	s0 =	sor.u32 s1, s0  }
0xbe: {  	s0 =	sadd.s32 $0x8F2B, s0  }
0xbf: {  	[sflag:s0] =	ssyncadd.remote.s32 $0x1  }
0xc0: {  	_ =	sfence.sel $0xFFFF  }
0xc1: {  	[dreg:$0x0] =	wrdreg $0xFFFFFFFF;
	(pc) =	sbr.abs _section_cstart, $3  }
0xc2: {  	[dreg:$0x1] =	wrdreg $0xFFFFFFFF  }
0xc3: {  	_ =	task.clear_ibuf [dreg:s8], $0x2FFFF;
	_ =	strace $0x9FFFFFFF  }
0xc4: {  	(tm) =	ssettm $0x7FFFFFFF  }
0xc5: {  	_ =	shalt  }
tec
execute0_lowered:
.L_overlay_start_1:
0x0: {  	(tag) =	ssettag $0x1  }
0x1: {  	s1 =	rddreg [dreg:$0x0]  }
0x2: {  	s0 =	srdreg.scid;
	s6 =	rddreg [dreg:$0x1]  }
0x3: {  	s2 =	stileid.u32;
	s3 =	rddreg [dreg:$0x2]  }
0x4: {  	s5 =	simm.s32 $0x0;
	s12 =	simm.s32 $0xB;
	s13 =	simm.s32 $0x80  }
0x5: {  	s14 =	simm.s32 $0x6400;
	s15 =	simm.s32 $0xA400;
	s17 =	simm.s32 $0xE400  }
0x6: {  	s19 =	simm.s32 $0x12400;
	s21 =	simm.s32 $0x16400;
	s22 =	simm.s32 $0x1  }
0x7: {  	s23 =	simm.s32 $0x2;
	s24 =	simm.s32 $0x3;
	s25 =	simm.s32 $0x4  }
0x8: {  	s26 =	simm.s32 $0x5;
	s28 =	simm.s32 $0x6;
	s29 =	simm.s32 $0x7  }
0x9: {  	s30 =	simm.s32 $0x8;
	s0 =	sand.u32 $0x1, s0;
	s2 =	sshll.u32 s2, $0x1  }
0xa: {  	s31 =	simm.s32 $0x9;
	s2 =	sor.u32 s0, s2;
	s0 =	ssub.s32 $0x2, s0  }
0xb: {  	[smem:$0x7FF] =	sst s5;
	s4 =	smul.u32 $0x6400, s2;
	s7 =	sshrl.u32 s0, $0x1  }
.Ltmp0:
0xc: {  	_ =	strace $0x80000047;
	s0 =	ssub.s32 s0, s7;
	(pc) =	sbr.rel .LBB2_1-.Ltmp0, $4  }
0xd: {  	s2 =	sshrl.u32 s4, $0x3;
	s7 =	sor.u32 $0x80, s4;
	s8 =	sor.u32 $0x100, s4  }
0xe: {  	s9 =	sor.u32 $0x180, s4;
	s0 =	smax.u32 s0, $0x1;
	s2 =	sadd.s32 s2, s6  }
0xf: {  	s10 =	sor.u32 $0x200, s4;
	[dreg:$0x5] =	wrdreg s0;
	s2 =	sadd.s32 $0x400, s2  }
0x10: {  	s0 =	simm.s32 $0x0;
	[dreg:$0x4] =	wrdreg s2;
	s2 =	simm.s32 $0xA  }
.LBB2_14:
0x11: {  	_ =	swait.ge [sflag:s29], $0x4000  }
0x12: {  	[sflag:s29] =	ssyncset.done $0x0  }
0x13: {  	[sflag:s29] =	ssyncadd.s32 $0xFFFFC000  }
0x14: {  	_ =	swait.ge [sflag:s30], $0x4000  }
0x15: {  	[sflag:s30] =	ssyncset.done $0x0  }
0x16: {  	[sflag:s30] =	ssyncadd.s32 $0xFFFFC000  }
0x17: {  	_ =	swait.ge [sflag:s31], $0x4000  }
0x18: {  	[sflag:s31] =	ssyncset.done $0x0  }
0x19: {  	[sflag:s31] =	ssyncadd.s32 $0xFFFFC000  }
0x1a: {  	_ =	swait.ge [sflag:s2], $0x4000  }
0x1b: {  	s0 =	sadd.s32 $0x1, s0;
	s6 =	rddreg [dreg:$0x5]  }
0x1c: {  	p0 =	sne.s32 s0, s6  }
.Ltmp1:
0x1d: {  	_ = 	snop;
	(pc) =	sbr.rel @!p0 .LBB2_15-.Ltmp1, $3  }
0x1e: {  	_ =	sdelay $0x1  }
0x1f: {  	[sflag:s2] =	ssyncset.done $0x0  }
0x20: {  	[sflag:s2] =	ssyncadd.s32 $0xFFFFC000  }
.LBB2_1:
0x21: {  	s6 =	rddreg [dreg:$0x4]  }
0x22: {  	[tilespmem:s5], [sflag:$0xB] =	stream.linear.gather [hbm4b:s6+s5], $0x6400, $0x38;
	[tilespmem:$0x1A400] =	vst v63  }
0x23: {  	_ =	swait.ge [sflag:s12], $0x6400  }
0x24: {  	[sflag:s12] =	ssyncset.done $0x0  }
0x25: {  	[sflag:s12] =	ssyncadd.s32 $0xFFFF9C00  }
0x26: {  	[tilespmem:s14], [sflag:$0x1] =	stream.indirect.gather [hbm4b:s1+s13], $0x80, s5, s13, $0xb8;
	[tilespmem:$0x1A400] =	vst v63  }
0x27: {  	_ = 	snop  }
0x28: {  	[tilespmem:s15], [sflag:$0x2] =	stream.indirect.gather [hbm4b:s1+s13], $0x80, s13, s13, $0xb8;
	[tilespmem:$0x1A400] =	vst v63  }
0x29: {  	s16 =	simm.s32 $0x100  }
0x2a: {  	[tilespmem:s17], [sflag:$0x3] =	stream.indirect.gather [hbm4b:s1+s13], $0x80, s16, s13, $0xb8;
	[tilespmem:$0x1A400] =	vst v63  }
0x2b: {  	s18 =	simm.s32 $0x180  }
0x2c: {  	[tilespmem:s19], [sflag:$0x4] =	stream.indirect.gather [hbm4b:s1+s13], $0x80, s18, s13, $0xb8;
	[tilespmem:$0x1A400] =	vst v63  }
0x2d: {  	s20 =	simm.s32 $0x200;
	s16 =	simm.s32 $0x0  }
0x2e: {  	[tilespmem:s21], [sflag:$0x5] =	stream.indirect.gather [hbm4b:s1+s13], $0x80, s20, s13, $0xb8;
	[tilespmem:$0x1A400] =	vst v63  }
.LBB2_2:
0x2f: {  	_ =	swait.ge [sflag:s22], $0x4000  }
0x30: {  	[sflag:s22] =	ssyncset.done $0x0  }
0x31: {  	s20 =	simm.s32 $0x0;
	[sflag:s22] =	ssyncadd.s32 $0xFFFFC000  }
0x32: {  	v0 =	vld [tilespmem:s20+$0x6400]  }
0x33: {  	v1 =	vld [tilespmem:s20+$0x6410]  }
0x34: {  	v2 =	vld [tilespmem:s20+$0x6420]  }
0x35: {  	v3 =	vld [tilespmem:s20+$0x6430]  }
0x36: {  	v4 =	vld [tilespmem:s20+$0x6440]  }
0x37: {  	v5 =	vld [tilespmem:s20+$0x6450];
	v0 =	vmul.f32 $1.131370830e+01, v0  }
0x38: {  	v6 =	vld [tilespmem:s20+$0x6460];
	v1 =	vmul.f32 $1.131370830e+01, v1  }
0x39: {  	v7 =	vld [tilespmem:s20+$0x6470];
	[tilespmem:s20+$0x6400] =	vst v0;
	v0 =	vmul.f32 $1.131370830e+01, v2  }
0x3a: {  	v8 =	vld [tilespmem:s20+$0x6480];
	[tilespmem:s20+$0x6410] =	vst v1;
	v1 =	vmul.f32 $1.131370830e+01, v3  }
0x3b: {  	v9 =	vld [tilespmem:s20+$0x6490];
	[tilespmem:s20+$0x6420] =	vst v0;
	v0 =	vmul.f32 $1.131370830e+01, v4  }
0x3c: {  	v2 =	vmul.f32 $1.131370830e+01, v5;
	[tilespmem:s20+$0x6430] =	vst v1;
	v1 =	vld [tilespmem:s20+$0x64A0]  }
0x3d: {  	v3 =	vmul.f32 $1.131370830e+01, v6;
	[tilespmem:s20+$0x6440] =	vst v0;
	v0 =	vld [tilespmem:s20+$0x64B0]  }
0x3e: {  	[tilespmem:s20+$0x6450] =	vst v2;
	v2 =	vld [tilespmem:s20+$0x64C0];
	v4 =	vmul.f32 $1.131370830e+01, v7  }
0x3f: {  	v6 =	vmul.f32 $1.131370830e+01, v8;
	[tilespmem:s20+$0x6460] =	vst v3;
	v3 =	vld [tilespmem:s20+$0x64D0]  }
0x40: {  	s18 =	simm.s32 $0x400;
	v5 =	vmul.f32 $1.131370830e+01, v9;
	[tilespmem:s20+$0x6470] =	vst v4;
	v4 =	vld [tilespmem:s20+$0x64E0]  }
.LBB2_3:
0x41: {  	s6 =	sshra.s32 s18, $0x2;
	p0 =	sne.s32 s18, $0xFC00;
	[tilespmem:s20+$0x6480] =	vst v6;
	v1 =	vmul.f32 $1.131370830e+01, v1;
	v6 =	vld [tilespmem:s20+$0x64F0]  }
0x42: {  	v7 =	vld [tilespmem:s6+$0x6400];
	[tilespmem:s20+$0x6490] =	vst v5;
	v0 =	vmul.f32 $1.131370830e+01, v0  }
0x43: {  	v5 =	vld [tilespmem:s6+$0x6410];
	[tilespmem:s20+$0x64A0] =	vst v1;
	v1 =	vmul.f32 $1.131370830e+01, v2  }
0x44: {  	v2 =	vld [tilespmem:s6+$0x6420];
	[tilespmem:s20+$0x64B0] =	vst v0;
	v0 =	vmul.f32 $1.131370830e+01, v3  }
0x45: {  	v3 =	vld [tilespmem:s6+$0x6430];
	[tilespmem:s20+$0x64C0] =	vst v1;
	v1 =	vmul.f32 $1.131370830e+01, v4  }
0x46: {  	v4 =	vld [tilespmem:s6+$0x6440];
	[tilespmem:s20+$0x64D0] =	vst v0;
	v0 =	vmul.f32 $1.131370830e+01, v6  }
0x47: {  	v6 =	vmul.f32 $1.131370830e+01, v7;
	v7 =	vld [tilespmem:s6+$0x6450];
	[tilespmem:s20+$0x64E0] =	vst v1  }
0x48: {  	v1 =	vmul.f32 $1.131370830e+01, v5;
	v5 =	vld [tilespmem:s6+$0x6460];
	[tilespmem:s20+$0x64F0] =	vst v0;
	s20 =	smov.u32 s6  }
0x49: {  	[tilespmem:s20+$0x6400] =	vst v6;
	v0 =	vmul.f32 $1.131370830e+01, v2;
	v2 =	vld [tilespmem:s20+$0x6470]  }
0x4a: {  	[tilespmem:s20+$0x6410] =	vst v1;
	v1 =	vmul.f32 $1.131370830e+01, v3;
	v3 =	vld [tilespmem:s20+$0x6480]  }
0x4b: {  	[tilespmem:s20+$0x6420] =	vst v0;
	v0 =	vmul.f32 $1.131370830e+01, v4;
	v4 =	vld [tilespmem:s20+$0x6490]  }
.Ltmp2:
0x4c: {  	[tilespmem:s20+$0x6430] =	vst v1;
	v6 =	vmul.f32 $1.131370830e+01, v7;
	v1 =	vld [tilespmem:s20+$0x64A0];
	(pc) =	sbr.rel @p0 .LBB2_3-.Ltmp2, $4  }
0x4d: {  	[tilespmem:s20+$0x6440] =	vst v0;
	v5 =	vmul.f32 $1.131370830e+01, v5;
	v0 =	vld [tilespmem:s20+$0x64B0]  }
0x4e: {  	[tilespmem:s20+$0x6450] =	vst v6;
	v7 =	vmul.f32 $1.131370830e+01, v2;
	v2 =	vld [tilespmem:s20+$0x64C0]  }
0x4f: {  	[tilespmem:s20+$0x6460] =	vst v5;
	v6 =	vmul.f32 $1.131370830e+01, v3;
	v3 =	vld [tilespmem:s20+$0x64D0]  }
0x50: {  	s18 =	sadd.s32 $0x400, s18;
	[tilespmem:s20+$0x6470] =	vst v7;
	v5 =	vmul.f32 $1.131370830e+01, v4;
	v4 =	vld [tilespmem:s20+$0x64E0]  }
0x51: {  	[tilespmem:s20+$0x6480] =	vst v6;
	v1 =	vmul.f32 $1.131370830e+01, v1;
	v6 =	vld [tilespmem:s20+$0x64F0]  }
0x52: {  	[tilespmem:s20+$0x6490] =	vst v5;
	v0 =	vmul.f32 $1.131370830e+01, v0  }
0x53: {  	[tilespmem:s20+$0x64A0] =	vst v1;
	v1 =	vmul.f32 $1.131370830e+01, v2  }
0x54: {  	s18 =	smul.u32 $0x280, s16;
	[tilespmem:s20+$0x64B0] =	vst v0;
	v0 =	vmul.f32 $1.131370830e+01, v3  }
0x55: {  	[tilespmem:s20+$0x64C0] =	vst v1;
	v1 =	vmul.f32 $1.131370830e+01, v4  }
0x56: {  	s6 =	sadd.s32 s4, s18;
	[tilespmem:s20+$0x64D0] =	vst v0;
	v0 =	vmul.f32 $1.131370830e+01, v6  }
0x57: {  	s6 =	sshll.u32 s6, $0x4;
	[tilespmem:s20+$0x64E0] =	vst v1  }
0x58: {  	s11 =	simm.s32 $0x0;
	s6 =	sadd.s32 s3, s6;
	[tilespmem:s20+$0x64F0] =	vst v0  }
0x59: {  	[hbm4b:s6+s11] =	stream.linear.scatter [tilespmem:s14], [sflag:$0x6], $0x4000, $0x38;
	[tilespmem:$0x1A400] =	vst v63  }
0x5a: {  	_ =	swait.ge [sflag:s23], $0x4000  }
0x5b: {  	[sflag:s23] =	ssyncset.done $0x0  }
0x5c: {  	s20 =	simm.s32 $0x0;
	[sflag:s23] =	ssyncadd.s32 $0xFFFFC000  }
0x5d: {  	v0 =	vld [tilespmem:s20+$0xA400]  }
0x5e: {  	v1 =	vld [tilespmem:s20+$0xA410]  }
0x5f: {  	v2 =	vld [tilespmem:s20+$0xA420]  }
0x60: {  	v3 =	vld [tilespmem:s20+$0xA430]  }
0x61: {  	v4 =	vld [tilespmem:s20+$0xA440]  }
0x62: {  	v5 =	vld [tilespmem:s20+$0xA450];
	v0 =	vmul.f32 $1.131370830e+01, v0  }
0x63: {  	v6 =	vld [tilespmem:s20+$0xA460];
	v1 =	vmul.f32 $1.131370830e+01, v1  }
0x64: {  	v7 =	vld [tilespmem:s20+$0xA470];
	[tilespmem:s20+$0xA400] =	vst v0;
	v0 =	vmul.f32 $1.131370830e+01, v2  }
0x65: {  	v8 =	vld [tilespmem:s20+$0xA480];
	[tilespmem:s20+$0xA410] =	vst v1;
	v1 =	vmul.f32 $1.131370830e+01, v3  }
0x66: {  	v9 =	vld [tilespmem:s20+$0xA490];
	[tilespmem:s20+$0xA420] =	vst v0;
	v0 =	vmul.f32 $1.131370830e+01, v4  }
0x67: {  	v2 =	vmul.f32 $1.131370830e+01, v5;
	[tilespmem:s20+$0xA430] =	vst v1;
	v1 =	vld [tilespmem:s20+$0xA4A0]  }
0x68: {  	v3 =	vmul.f32 $1.131370830e+01, v6;
	[tilespmem:s20+$0xA440] =	vst v0;
	v0 =	vld [tilespmem:s20+$0xA4B0]  }
0x69: {  	[tilespmem:s20+$0xA450] =	vst v2;
	v2 =	vld [tilespmem:s20+$0xA4C0];
	v4 =	vmul.f32 $1.131370830e+01, v7  }
0x6a: {  	v6 =	vmul.f32 $1.131370830e+01, v8;
	[tilespmem:s20+$0xA460] =	vst v3;
	v3 =	vld [tilespmem:s20+$0xA4D0]  }
0x6b: {  	s6 =	simm.s32 $0x400;
	v5 =	vmul.f32 $1.131370830e+01, v9;
	[tilespmem:s20+$0xA470] =	vst v4;
	v4 =	vld [tilespmem:s20+$0xA4E0]  }
.LBB2_5:
0x6c: {  	s11 =	sshra.s32 s6, $0x2;
	p0 =	sne.s32 s6, $0xFC00;
	[tilespmem:s20+$0xA480] =	vst v6;
	v1 =	vmul.f32 $1.131370830e+01, v1;
	v6 =	vld [tilespmem:s20+$0xA4F0]  }
0x6d: {  	v7 =	vld [tilespmem:s11+$0xA400];
	[tilespmem:s20+$0xA490] =	vst v5;
	v0 =	vmul.f32 $1.131370830e+01, v0  }
0x6e: {  	v5 =	vld [tilespmem:s11+$0xA410];
	[tilespmem:s20+$0xA4A0] =	vst v1;
	v1 =	vmul.f32 $1.131370830e+01, v2  }
0x6f: {  	v2 =	vld [tilespmem:s11+$0xA420];
	[tilespmem:s20+$0xA4B0] =	vst v0;
	v0 =	vmul.f32 $1.131370830e+01, v3  }
0x70: {  	v3 =	vld [tilespmem:s11+$0xA430];
	[tilespmem:s20+$0xA4C0] =	vst v1;
	v1 =	vmul.f32 $1.131370830e+01, v4  }
0x71: {  	v4 =	vld [tilespmem:s11+$0xA440];
	[tilespmem:s20+$0xA4D0] =	vst v0;
	v0 =	vmul.f32 $1.131370830e+01, v6  }
0x72: {  	v6 =	vmul.f32 $1.131370830e+01, v7;
	v7 =	vld [tilespmem:s11+$0xA450];
	[tilespmem:s20+$0xA4E0] =	vst v1  }
0x73: {  	v1 =	vmul.f32 $1.131370830e+01, v5;
	v5 =	vld [tilespmem:s11+$0xA460];
	[tilespmem:s20+$0xA4F0] =	vst v0;
	s20 =	smov.u32 s11  }
0x74: {  	[tilespmem:s20+$0xA400] =	vst v6;
	v0 =	vmul.f32 $1.131370830e+01, v2;
	v2 =	vld [tilespmem:s20+$0xA470]  }
0x75: {  	[tilespmem:s20+$0xA410] =	vst v1;
	v1 =	vmul.f32 $1.131370830e+01, v3;
	v3 =	vld [tilespmem:s20+$0xA480]  }
0x76: {  	[tilespmem:s20+$0xA420] =	vst v0;
	v0 =	vmul.f32 $1.131370830e+01, v4;
	v4 =	vld [tilespmem:s20+$0xA490]  }
.Ltmp3:
0x77: {  	[tilespmem:s20+$0xA430] =	vst v1;
	v6 =	vmul.f32 $1.131370830e+01, v7;
	v1 =	vld [tilespmem:s20+$0xA4A0];
	(pc) =	sbr.rel @p0 .LBB2_5-.Ltmp3, $4  }
0x78: {  	[tilespmem:s20+$0xA440] =	vst v0;
	v5 =	vmul.f32 $1.131370830e+01, v5;
	v0 =	vld [tilespmem:s20+$0xA4B0]  }
0x79: {  	[tilespmem:s20+$0xA450] =	vst v6;
	v7 =	vmul.f32 $1.131370830e+01, v2;
	v2 =	vld [tilespmem:s20+$0xA4C0]  }
0x7a: {  	[tilespmem:s20+$0xA460] =	vst v5;
	v6 =	vmul.f32 $1.131370830e+01, v3;
	v3 =	vld [tilespmem:s20+$0xA4D0]  }
0x7b: {  	s6 =	sadd.s32 $0x400, s6;
	[tilespmem:s20+$0xA470] =	vst v7;
	v5 =	vmul.f32 $1.131370830e+01, v4;
	v4 =	vld [tilespmem:s20+$0xA4E0]  }
0x7c: {  	[tilespmem:s20+$0xA480] =	vst v6;
	v1 =	vmul.f32 $1.131370830e+01, v1;
	v6 =	vld [tilespmem:s20+$0xA4F0]  }
0x7d: {  	[tilespmem:s20+$0xA490] =	vst v5;
	v0 =	vmul.f32 $1.131370830e+01, v0  }
0x7e: {  	[tilespmem:s20+$0xA4A0] =	vst v1;
	v1 =	vmul.f32 $1.131370830e+01, v2  }
0x7f: {  	[tilespmem:s20+$0xA4B0] =	vst v0;
	v0 =	vmul.f32 $1.131370830e+01, v3  }
0x80: {  	[tilespmem:s20+$0xA4C0] =	vst v1;
	v1 =	vmul.f32 $1.131370830e+01, v4  }
0x81: {  	s6 =	sadd.s32 s18, s7;
	[tilespmem:s20+$0xA4D0] =	vst v0;
	v0 =	vmul.f32 $1.131370830e+01, v6  }
0x82: {  	s6 =	sshll.u32 s6, $0x4;
	[tilespmem:s20+$0xA4E0] =	vst v1  }
0x83: {  	s11 =	simm.s32 $0x0;
	s6 =	sadd.s32 s3, s6;
	[tilespmem:s20+$0xA4F0] =	vst v0  }
0x84: {  	[hbm4b:s6+s11] =	stream.linear.scatter [tilespmem:s15], [sflag:$0x7], $0x4000, $0x38;
	[tilespmem:$0x1A400] =	vst v63  }
0x85: {  	_ =	swait.ge [sflag:s24], $0x4000  }
0x86: {  	[sflag:s24] =	ssyncset.done $0x0  }
0x87: {  	s20 =	simm.s32 $0x0;
	[sflag:s24] =	ssyncadd.s32 $0xFFFFC000  }
0x88: {  	v0 =	vld [tilespmem:s20+$0xE400]  }
0x89: {  	v1 =	vld [tilespmem:s20+$0xE410]  }
0x8a: {  	v2 =	vld [tilespmem:s20+$0xE420]  }
0x8b: {  	v3 =	vld [tilespmem:s20+$0xE430]  }
0x8c: {  	v4 =	vld [tilespmem:s20+$0xE440]  }
0x8d: {  	v5 =	vld [tilespmem:s20+$0xE450];
	v0 =	vmul.f32 $1.131370830e+01, v0  }
0x8e: {  	v6 =	vld [tilespmem:s20+$0xE460];
	v1 =	vmul.f32 $1.131370830e+01, v1  }
0x8f: {  	v7 =	vld [tilespmem:s20+$0xE470];
	[tilespmem:s20+$0xE400] =	vst v0;
	v0 =	vmul.f32 $1.131370830e+01, v2  }
0x90: {  	v8 =	vld [tilespmem:s20+$0xE480];
	[tilespmem:s20+$0xE410] =	vst v1;
	v1 =	vmul.f32 $1.131370830e+01, v3  }
0x91: {  	v9 =	vld [tilespmem:s20+$0xE490];
	[tilespmem:s20+$0xE420] =	vst v0;
	v0 =	vmul.f32 $1.131370830e+01, v4  }
0x92: {  	v2 =	vmul.f32 $1.131370830e+01, v5;
	[tilespmem:s20+$0xE430] =	vst v1;
	v1 =	vld [tilespmem:s20+$0xE4A0]  }
0x93: {  	v3 =	vmul.f32 $1.131370830e+01, v6;
	[tilespmem:s20+$0xE440] =	vst v0;
	v0 =	vld [tilespmem:s20+$0xE4B0]  }
0x94: {  	[tilespmem:s20+$0xE450] =	vst v2;
	v2 =	vld [tilespmem:s20+$0xE4C0];
	v4 =	vmul.f32 $1.131370830e+01, v7  }
0x95: {  	v6 =	vmul.f32 $1.131370830e+01, v8;
	[tilespmem:s20+$0xE460] =	vst v3;
	v3 =	vld [tilespmem:s20+$0xE4D0]  }
0x96: {  	s6 =	simm.s32 $0x400;
	v5 =	vmul.f32 $1.131370830e+01, v9;
	[tilespmem:s20+$0xE470] =	vst v4;
	v4 =	vld [tilespmem:s20+$0xE4E0]  }
.LBB2_7:
0x97: {  	s11 =	sshra.s32 s6, $0x2;
	p0 =	sne.s32 s6, $0xFC00;
	[tilespmem:s20+$0xE480] =	vst v6;
	v1 =	vmul.f32 $1.131370830e+01, v1;
	v6 =	vld [tilespmem:s20+$0xE4F0]  }
0x98: {  	v7 =	vld [tilespmem:s11+$0xE400];
	[tilespmem:s20+$0xE490] =	vst v5;
	v0 =	vmul.f32 $1.131370830e+01, v0  }
0x99: {  	v5 =	vld [tilespmem:s11+$0xE410];
	[tilespmem:s20+$0xE4A0] =	vst v1;
	v1 =	vmul.f32 $1.131370830e+01, v2  }
0x9a: {  	v2 =	vld [tilespmem:s11+$0xE420];
	[tilespmem:s20+$0xE4B0] =	vst v0;
	v0 =	vmul.f32 $1.131370830e+01, v3  }
0x9b: {  	v3 =	vld [tilespmem:s11+$0xE430];
	[tilespmem:s20+$0xE4C0] =	vst v1;
	v1 =	vmul.f32 $1.131370830e+01, v4  }
0x9c: {  	v4 =	vld [tilespmem:s11+$0xE440];
	[tilespmem:s20+$0xE4D0] =	vst v0;
	v0 =	vmul.f32 $1.131370830e+01, v6  }
0x9d: {  	v6 =	vmul.f32 $1.131370830e+01, v7;
	v7 =	vld [tilespmem:s11+$0xE450];
	[tilespmem:s20+$0xE4E0] =	vst v1  }
0x9e: {  	v1 =	vmul.f32 $1.131370830e+01, v5;
	v5 =	vld [tilespmem:s11+$0xE460];
	[tilespmem:s20+$0xE4F0] =	vst v0;
	s20 =	smov.u32 s11  }
0x9f: {  	[tilespmem:s20+$0xE400] =	vst v6;
	v0 =	vmul.f32 $1.131370830e+01, v2;
	v2 =	vld [tilespmem:s20+$0xE470]  }
0xa0: {  	[tilespmem:s20+$0xE410] =	vst v1;
	v1 =	vmul.f32 $1.131370830e+01, v3;
	v3 =	vld [tilespmem:s20+$0xE480]  }
0xa1: {  	[tilespmem:s20+$0xE420] =	vst v0;
	v0 =	vmul.f32 $1.131370830e+01, v4;
	v4 =	vld [tilespmem:s20+$0xE490]  }
.Ltmp4:
0xa2: {  	[tilespmem:s20+$0xE430] =	vst v1;
	v6 =	vmul.f32 $1.131370830e+01, v7;
	v1 =	vld [tilespmem:s20+$0xE4A0];
	(pc) =	sbr.rel @p0 .LBB2_7-.Ltmp4, $4  }
0xa3: {  	[tilespmem:s20+$0xE440] =	vst v0;
	v5 =	vmul.f32 $1.131370830e+01, v5;
	v0 =	vld [tilespmem:s20+$0xE4B0]  }
0xa4: {  	[tilespmem:s20+$0xE450] =	vst v6;
	v7 =	vmul.f32 $1.131370830e+01, v2;
	v2 =	vld [tilespmem:s20+$0xE4C0]  }
0xa5: {  	[tilespmem:s20+$0xE460] =	vst v5;
	v6 =	vmul.f32 $1.131370830e+01, v3;
	v3 =	vld [tilespmem:s20+$0xE4D0]  }
0xa6: {  	s6 =	sadd.s32 $0x400, s6;
	[tilespmem:s20+$0xE470] =	vst v7;
	v5 =	vmul.f32 $1.131370830e+01, v4;
	v4 =	vld [tilespmem:s20+$0xE4E0]  }
0xa7: {  	[tilespmem:s20+$0xE480] =	vst v6;
	v1 =	vmul.f32 $1.131370830e+01, v1;
	v6 =	vld [tilespmem:s20+$0xE4F0]  }
0xa8: {  	[tilespmem:s20+$0xE490] =	vst v5;
	v0 =	vmul.f32 $1.131370830e+01, v0  }
0xa9: {  	[tilespmem:s20+$0xE4A0] =	vst v1;
	v1 =	vmul.f32 $1.131370830e+01, v2  }
0xaa: {  	[tilespmem:s20+$0xE4B0] =	vst v0;
	v0 =	vmul.f32 $1.131370830e+01, v3  }
0xab: {  	[tilespmem:s20+$0xE4C0] =	vst v1;
	v1 =	vmul.f32 $1.131370830e+01, v4  }
0xac: {  	s6 =	sadd.s32 s18, s8;
	[tilespmem:s20+$0xE4D0] =	vst v0;
	v0 =	vmul.f32 $1.131370830e+01, v6  }
0xad: {  	s6 =	sshll.u32 s6, $0x4;
	[tilespmem:s20+$0xE4E0] =	vst v1  }
0xae: {  	s11 =	simm.s32 $0x0;
	s6 =	sadd.s32 s3, s6;
	[tilespmem:s20+$0xE4F0] =	vst v0  }
0xaf: {  	[hbm4b:s6+s11] =	stream.linear.scatter [tilespmem:s17], [sflag:$0x8], $0x4000, $0x38;
	[tilespmem:$0x1A400] =	vst v63  }
0xb0: {  	_ =	swait.ge [sflag:s25], $0x4000  }
0xb1: {  	[sflag:s25] =	ssyncset.done $0x0  }
0xb2: {  	s20 =	simm.s32 $0x0;
	[sflag:s25] =	ssyncadd.s32 $0xFFFFC000  }
0xb3: {  	v0 =	vld [tilespmem:s20+$0x12400]  }
0xb4: {  	v1 =	vld [tilespmem:s20+$0x12410]  }
0xb5: {  	v2 =	vld [tilespmem:s20+$0x12420]  }
0xb6: {  	v3 =	vld [tilespmem:s20+$0x12430]  }
0xb7: {  	v4 =	vld [tilespmem:s20+$0x12440]  }
0xb8: {  	v5 =	vld [tilespmem:s20+$0x12450];
	v0 =	vmul.f32 $1.131370830e+01, v0  }
0xb9: {  	v6 =	vld [tilespmem:s20+$0x12460];
	v1 =	vmul.f32 $1.131370830e+01, v1  }
0xba: {  	v7 =	vld [tilespmem:s20+$0x12470];
	[tilespmem:s20+$0x12400] =	vst v0;
	v0 =	vmul.f32 $1.131370830e+01, v2  }
0xbb: {  	v8 =	vld [tilespmem:s20+$0x12480];
	[tilespmem:s20+$0x12410] =	vst v1;
	v1 =	vmul.f32 $1.131370830e+01, v3  }
0xbc: {  	v9 =	vld [tilespmem:s20+$0x12490];
	[tilespmem:s20+$0x12420] =	vst v0;
	v0 =	vmul.f32 $1.131370830e+01, v4  }
0xbd: {  	v2 =	vmul.f32 $1.131370830e+01, v5;
	[tilespmem:s20+$0x12430] =	vst v1;
	v1 =	vld [tilespmem:s20+$0x124A0]  }
0xbe: {  	v3 =	vmul.f32 $1.131370830e+01, v6;
	[tilespmem:s20+$0x12440] =	vst v0;
	v0 =	vld [tilespmem:s20+$0x124B0]  }
0xbf: {  	[tilespmem:s20+$0x12450] =	vst v2;
	v2 =	vld [tilespmem:s20+$0x124C0];
	v4 =	vmul.f32 $1.131370830e+01, v7  }
0xc0: {  	v6 =	vmul.f32 $1.131370830e+01, v8;
	[tilespmem:s20+$0x12460] =	vst v3;
	v3 =	vld [tilespmem:s20+$0x124D0]  }
0xc1: {  	s6 =	simm.s32 $0x400;
	v5 =	vmul.f32 $1.131370830e+01, v9;
	[tilespmem:s20+$0x12470] =	vst v4;
	v4 =	vld [tilespmem:s20+$0x124E0]  }
.LBB2_9:
0xc2: {  	s11 =	sshra.s32 s6, $0x2;
	p0 =	sne.s32 s6, $0xFC00;
	[tilespmem:s20+$0x12480] =	vst v6;
	v1 =	vmul.f32 $1.131370830e+01, v1;
	v6 =	vld [tilespmem:s20+$0x124F0]  }
0xc3: {  	v7 =	vld [tilespmem:s11+$0x12400];
	[tilespmem:s20+$0x12490] =	vst v5;
	v0 =	vmul.f32 $1.131370830e+01, v0  }
0xc4: {  	v5 =	vld [tilespmem:s11+$0x12410];
	[tilespmem:s20+$0x124A0] =	vst v1;
	v1 =	vmul.f32 $1.131370830e+01, v2  }
0xc5: {  	v2 =	vld [tilespmem:s11+$0x12420];
	[tilespmem:s20+$0x124B0] =	vst v0;
	v0 =	vmul.f32 $1.131370830e+01, v3  }
0xc6: {  	v3 =	vld [tilespmem:s11+$0x12430];
	[tilespmem:s20+$0x124C0] =	vst v1;
	v1 =	vmul.f32 $1.131370830e+01, v4  }
0xc7: {  	v4 =	vld [tilespmem:s11+$0x12440];
	[tilespmem:s20+$0x124D0] =	vst v0;
	v0 =	vmul.f32 $1.131370830e+01, v6  }
0xc8: {  	v6 =	vmul.f32 $1.131370830e+01, v7;
	v7 =	vld [tilespmem:s11+$0x12450];
	[tilespmem:s20+$0x124E0] =	vst v1  }
0xc9: {  	v1 =	vmul.f32 $1.131370830e+01, v5;
	v5 =	vld [tilespmem:s11+$0x12460];
	[tilespmem:s20+$0x124F0] =	vst v0;
	s20 =	smov.u32 s11  }
0xca: {  	[tilespmem:s20+$0x12400] =	vst v6;
	v0 =	vmul.f32 $1.131370830e+01, v2;
	v2 =	vld [tilespmem:s20+$0x12470]  }
0xcb: {  	[tilespmem:s20+$0x12410] =	vst v1;
	v1 =	vmul.f32 $1.131370830e+01, v3;
	v3 =	vld [tilespmem:s20+$0x12480]  }
0xcc: {  	[tilespmem:s20+$0x12420] =	vst v0;
	v0 =	vmul.f32 $1.131370830e+01, v4;
	v4 =	vld [tilespmem:s20+$0x12490]  }
.Ltmp5:
0xcd: {  	[tilespmem:s20+$0x12430] =	vst v1;
	v6 =	vmul.f32 $1.131370830e+01, v7;
	v1 =	vld [tilespmem:s20+$0x124A0];
	(pc) =	sbr.rel @p0 .LBB2_9-.Ltmp5, $4  }
0xce: {  	[tilespmem:s20+$0x12440] =	vst v0;
	v5 =	vmul.f32 $1.131370830e+01, v5;
	v0 =	vld [tilespmem:s20+$0x124B0]  }
0xcf: {  	[tilespmem:s20+$0x12450] =	vst v6;
	v7 =	vmul.f32 $1.131370830e+01, v2;
	v2 =	vld [tilespmem:s20+$0x124C0]  }
0xd0: {  	[tilespmem:s20+$0x12460] =	vst v5;
	v6 =	vmul.f32 $1.131370830e+01, v3;
	v3 =	vld [tilespmem:s20+$0x124D0]  }
0xd1: {  	s6 =	sadd.s32 $0x400, s6;
	[tilespmem:s20+$0x12470] =	vst v7;
	v5 =	vmul.f32 $1.131370830e+01, v4;
	v4 =	vld [tilespmem:s20+$0x124E0]  }
0xd2: {  	[tilespmem:s20+$0x12480] =	vst v6;
	v1 =	vmul.f32 $1.131370830e+01, v1;
	v6 =	vld [tilespmem:s20+$0x124F0]  }
0xd3: {  	[tilespmem:s20+$0x12490] =	vst v5;
	v0 =	vmul.f32 $1.131370830e+01, v0  }
0xd4: {  	[tilespmem:s20+$0x124A0] =	vst v1;
	v1 =	vmul.f32 $1.131370830e+01, v2  }
0xd5: {  	[tilespmem:s20+$0x124B0] =	vst v0;
	v0 =	vmul.f32 $1.131370830e+01, v3  }
0xd6: {  	[tilespmem:s20+$0x124C0] =	vst v1;
	v1 =	vmul.f32 $1.131370830e+01, v4  }
0xd7: {  	s6 =	sadd.s32 s18, s9;
	[tilespmem:s20+$0x124D0] =	vst v0;
	v0 =	vmul.f32 $1.131370830e+01, v6  }
0xd8: {  	s6 =	sshll.u32 s6, $0x4;
	[tilespmem:s20+$0x124E0] =	vst v1  }
0xd9: {  	s11 =	simm.s32 $0x0;
	s6 =	sadd.s32 s3, s6;
	[tilespmem:s20+$0x124F0] =	vst v0  }
0xda: {  	[hbm4b:s6+s11] =	stream.linear.scatter [tilespmem:s19], [sflag:$0x9], $0x4000, $0x38;
	[tilespmem:$0x1A400] =	vst v63  }
0xdb: {  	_ =	swait.ge [sflag:s26], $0x4000  }
0xdc: {  	[sflag:s26] =	ssyncset.done $0x0  }
0xdd: {  	s20 =	simm.s32 $0x0;
	[sflag:s26] =	ssyncadd.s32 $0xFFFFC000  }
0xde: {  	v0 =	vld [tilespmem:s20+$0x16400]  }
0xdf: {  	v1 =	vld [tilespmem:s20+$0x16410]  }
0xe0: {  	v2 =	vld [tilespmem:s20+$0x16420]  }
0xe1: {  	v3 =	vld [tilespmem:s20+$0x16430]  }
0xe2: {  	v4 =	vld [tilespmem:s20+$0x16440]  }
0xe3: {  	v5 =	vld [tilespmem:s20+$0x16450];
	v0 =	vmul.f32 $1.131370830e+01, v0  }
0xe4: {  	v6 =	vld [tilespmem:s20+$0x16460];
	v1 =	vmul.f32 $1.131370830e+01, v1  }
0xe5: {  	v7 =	vld [tilespmem:s20+$0x16470];
	[tilespmem:s20+$0x16400] =	vst v0;
	v0 =	vmul.f32 $1.131370830e+01, v2  }
0xe6: {  	v8 =	vld [tilespmem:s20+$0x16480];
	[tilespmem:s20+$0x16410] =	vst v1;
	v1 =	vmul.f32 $1.131370830e+01, v3  }
0xe7: {  	v9 =	vld [tilespmem:s20+$0x16490];
	[tilespmem:s20+$0x16420] =	vst v0;
	v0 =	vmul.f32 $1.131370830e+01, v4  }
0xe8: {  	v2 =	vmul.f32 $1.131370830e+01, v5;
	[tilespmem:s20+$0x16430] =	vst v1;
	v1 =	vld [tilespmem:s20+$0x164A0]  }
0xe9: {  	v3 =	vmul.f32 $1.131370830e+01, v6;
	[tilespmem:s20+$0x16440] =	vst v0;
	v0 =	vld [tilespmem:s20+$0x164B0]  }
0xea: {  	[tilespmem:s20+$0x16450] =	vst v2;
	v2 =	vld [tilespmem:s20+$0x164C0];
	v4 =	vmul.f32 $1.131370830e+01, v7  }
0xeb: {  	v6 =	vmul.f32 $1.131370830e+01, v8;
	[tilespmem:s20+$0x16460] =	vst v3;
	v3 =	vld [tilespmem:s20+$0x164D0]  }
0xec: {  	s6 =	simm.s32 $0x400;
	v5 =	vmul.f32 $1.131370830e+01, v9;
	[tilespmem:s20+$0x16470] =	vst v4;
	v4 =	vld [tilespmem:s20+$0x164E0]  }
.LBB2_11:
0xed: {  	s11 =	sshra.s32 s6, $0x2;
	p0 =	sne.s32 s6, $0xFC00;
	[tilespmem:s20+$0x16480] =	vst v6;
	v1 =	vmul.f32 $1.131370830e+01, v1;
	v6 =	vld [tilespmem:s20+$0x164F0]  }
0xee: {  	v7 =	vld [tilespmem:s11+$0x16400];
	[tilespmem:s20+$0x16490] =	vst v5;
	v0 =	vmul.f32 $1.131370830e+01, v0  }
0xef: {  	v5 =	vld [tilespmem:s11+$0x16410];
	[tilespmem:s20+$0x164A0] =	vst v1;
	v1 =	vmul.f32 $1.131370830e+01, v2  }
0xf0: {  	v2 =	vld [tilespmem:s11+$0x16420];
	[tilespmem:s20+$0x164B0] =	vst v0;
	v0 =	vmul.f32 $1.131370830e+01, v3  }
0xf1: {  	v3 =	vld [tilespmem:s11+$0x16430];
	[tilespmem:s20+$0x164C0] =	vst v1;
	v1 =	vmul.f32 $1.131370830e+01, v4  }
0xf2: {  	v4 =	vld [tilespmem:s11+$0x16440];
	[tilespmem:s20+$0x164D0] =	vst v0;
	v0 =	vmul.f32 $1.131370830e+01, v6  }
0xf3: {  	v6 =	vmul.f32 $1.131370830e+01, v7;
	v7 =	vld [tilespmem:s11+$0x16450];
	[tilespmem:s20+$0x164E0] =	vst v1  }
0xf4: {  	v1 =	vmul.f32 $1.131370830e+01, v5;
	v5 =	vld [tilespmem:s11+$0x16460];
	[tilespmem:s20+$0x164F0] =	vst v0;
	s20 =	smov.u32 s11  }
0xf5: {  	[tilespmem:s20+$0x16400] =	vst v6;
	v0 =	vmul.f32 $1.131370830e+01, v2;
	v2 =	vld [tilespmem:s20+$0x16470]  }
0xf6: {  	[tilespmem:s20+$0x16410] =	vst v1;
	v1 =	vmul.f32 $1.131370830e+01, v3;
	v3 =	vld [tilespmem:s20+$0x16480]  }
0xf7: {  	[tilespmem:s20+$0x16420] =	vst v0;
	v0 =	vmul.f32 $1.131370830e+01, v4;
	v4 =	vld [tilespmem:s20+$0x16490]  }
.Ltmp6:
0xf8: {  	[tilespmem:s20+$0x16430] =	vst v1;
	v6 =	vmul.f32 $1.131370830e+01, v7;
	v1 =	vld [tilespmem:s20+$0x164A0];
	(pc) =	sbr.rel @p0 .LBB2_11-.Ltmp6, $4  }
0xf9: {  	[tilespmem:s20+$0x16440] =	vst v0;
	v5 =	vmul.f32 $1.131370830e+01, v5;
	v0 =	vld [tilespmem:s20+$0x164B0]  }
0xfa: {  	[tilespmem:s20+$0x16450] =	vst v6;
	v7 =	vmul.f32 $1.131370830e+01, v2;
	v2 =	vld [tilespmem:s20+$0x164C0]  }
0xfb: {  	[tilespmem:s20+$0x16460] =	vst v5;
	v6 =	vmul.f32 $1.131370830e+01, v3;
	v3 =	vld [tilespmem:s20+$0x164D0]  }
0xfc: {  	s6 =	sadd.s32 $0x400, s6;
	[tilespmem:s20+$0x16470] =	vst v7;
	v5 =	vmul.f32 $1.131370830e+01, v4;
	v4 =	vld [tilespmem:s20+$0x164E0]  }
0xfd: {  	[tilespmem:s20+$0x16480] =	vst v6;
	v1 =	vmul.f32 $1.131370830e+01, v1;
	v59 =	vld [tilespmem:s20+$0x164F0]  }
0xfe: {  	[tilespmem:s20+$0x16490] =	vst v5;
	v0 =	vmul.f32 $1.131370830e+01, v0  }
0xff: {  	[tilespmem:s20+$0x164A0] =	vst v1;
	v60 =	vmul.f32 $1.131370830e+01, v2  }
0x100: {  	[tilespmem:s20+$0x164B0] =	vst v0;
	v61 =	vmul.f32 $1.131370830e+01, v3  }
0x101: {  	[tilespmem:s20+$0x164C0] =	vst v60;
	v62 =	vmul.f32 $1.131370830e+01, v4  }
0x102: {  	s6 =	sadd.s32 s18, s10;
	[tilespmem:s20+$0x164D0] =	vst v61;
	v63 =	vmul.f32 $1.131370830e+01, v59  }
0x103: {  	p0 =	seq.s32 s16, $0x27;
	s6 =	sshll.u32 s6, $0x4;
	[tilespmem:s20+$0x164E0] =	vst v62  }
.Ltmp7:
0x104: {  	s6 =	sadd.s32 s3, s6;
	[tilespmem:s20+$0x164F0] =	vst v63;
	(pc) =	sbr.rel @p0 .LBB2_14-.Ltmp7, $4  }
0x105: {  	[hbm4b:s6+s5] =	stream.linear.scatter [tilespmem:s21], [sflag:$0xA], $0x4000, $0x38;
	[tilespmem:$0x1A400] =	vst v63  }
0x106: {  	_ =	swait.ge [sflag:s28], $0x4000  }
0x107: {  	[sflag:s28] =	ssyncset.done $0x0  }
0x108: {  	[sflag:s28] =	ssyncadd.s32 $0xFFFFC000  }
0x109: {  	s6 =	smul.u32 $0xA00, s16;
	_ =	sdelay $0x1  }
0x10a: {  	s6 =	sshra.s32 s6, $0x2  }
0x10b: {  	s11 =	sadd.s32 $0x280, s6  }
0x10c: {  	[tilespmem:s14], [sflag:$0x1] =	stream.indirect.gather [hbm4b:s1+s13], $0x80, s11, s13, $0xb8;
	[tilespmem:$0x1A400] =	vst v63  }
0x10d: {  	_ =	swait.ge [sflag:s29], $0x4000  }
0x10e: {  	[sflag:s29] =	ssyncset.done $0x0  }
0x10f: {  	s20 =	sadd.s32 $0x300, s6;
	[sflag:s29] =	ssyncadd.s32 $0xFFFFC000  }
0x110: {  	[tilespmem:s15], [sflag:$0x2] =	stream.indirect.gather [hbm4b:s1+s13], $0x80, s20, s13, $0xb8;
	[tilespmem:$0x1A400] =	vst v63  }
0x111: {  	_ =	swait.ge [sflag:s30], $0x4000  }
0x112: {  	[sflag:s30] =	ssyncset.done $0x0  }
0x113: {  	s18 =	sadd.s32 $0x380, s6;
	[sflag:s30] =	ssyncadd.s32 $0xFFFFC000  }
0x114: {  	[tilespmem:s17], [sflag:$0x3] =	stream.indirect.gather [hbm4b:s1+s13], $0x80, s18, s13, $0xb8;
	[tilespmem:$0x1A400] =	vst v63  }
0x115: {  	_ =	swait.ge [sflag:s31], $0x4000  }
0x116: {  	[sflag:s31] =	ssyncset.done $0x0  }
0x117: {  	s20 =	sadd.s32 $0x400, s6;
	[sflag:s31] =	ssyncadd.s32 $0xFFFFC000  }
0x118: {  	[tilespmem:s19], [sflag:$0x4] =	stream.indirect.gather [hbm4b:s1+s13], $0x80, s20, s13, $0xb8;
	[tilespmem:$0x1A400] =	vst v63  }
.Ltmp8:
0x119: {  	_ = 	snop;
	(pc) =	sbr.rel .LBB2_2-.Ltmp8, $4  }
0x11a: {  	_ =	swait.ge [sflag:s2], $0x4000  }
0x11b: {  	[sflag:s2] =	ssyncset.done $0x0  }
0x11c: {  	s16 =	sadd.s32 $0x1, s16;
	s6 =	sadd.s32 $0x480, s6;
	[sflag:s2] =	ssyncadd.s32 $0xFFFFC000  }
0x11d: {  	[tilespmem:s21], [sflag:$0x5] =	stream.indirect.gather [hbm4b:s1+s13], $0x80, s6, s13, $0xb8;
	[tilespmem:$0x1A400] =	vst v63  }
.LBB2_15:
0x11e: {  	_ =	sfence.sel $0x180000  }
0x11f: {  	[bflag:$0x0] =	sbarrier.arrive $0xFFFF  }
0x120: {  	_ =	strace $0x90000047  }
0x121: {  	s0 =	stileid.u32;
	[bflag:$0x2] =	sbarrier.arrive $0xFFFF  }
0x122: {  	p0 =	sne.s32 s0, $0x0;
	s0 =	rddreg [dreg:$0x3]  }
0x123: {  	s0 =	sadd.s32 @!p0 $0x100000, s0  }
0x124: {  	[sflag:s0] =	ssyncadd.tile.s32 @!p0 $0x1;
	_ =	shalt  }
.Lfunc_end2:
_tile_overlayer_lowered:
.L_overlay_start_2:
0x125: {  	(tag) =	ssettag $0x2  }
0x126: {  	s0 =	rddreg [dreg:$0x0];
	s2 =	stileid.u32  }
0x127: {  	s1 =	rddreg [dreg:$0x1];
	p0 =	sne.s32 s2, $0x0  }
0x128: {  	s3 =	rddreg [dreg:$0x2];
	[bflag:$0x3] =	sbarrier.arrive $0xFFFF;
	s2 =	simm.s32 @!p0 $0x1C0B  }
0x129: {  	[timem:s3], [sflag:s2] =	dma.local @!p0 [hbm:s0], s1  }
0x12a: {  	s0 =	simm.s32 @!p0 $0xB  }
0x12b: {  	_ =	swait.ge @!p0 [sflag:s0], s1  }
0x12c: {  	s1 =	ssub.s32 @!p0 $0x0, s1;
	[sflag:s0] =	ssyncset.done @!p0 $0x0  }
0x12d: {  	[sflag:s0] =	ssyncadd.s32 @!p0 s1  }
0x12e: {  	[bflag:$0x3] =	sbarrier.arrive $0xFFFF  }
0x12f: {  	_ =	shalt  }

</sc_bundles>
